<compile_context>
chip_gen: v7x
topology: tpu7x:2x2x1
jax: 0.10.2.dev20260603
libtpu: 0.0.44.dev20260713+nightly
codegen_flags: <defaults>
</compile_context>

<pallas_src>
import functools

import jax
import jax.numpy as jnp
from jax import lax
from jax.experimental import pallas as pl
from jax.experimental.pallas import tpu as pltpu
from jax.experimental.pallas import tpu_sc as plsc

Q = 1024
DIM = 128
N = 100000
TILE = 3584
KT = 28
NPAD = KT * TILE
CHUNK = 128
CPT = TILE // CHUNK
NCH = NPAD // CHUNK
NCHP = 896
QB = 512
NQB = Q // QB
K = 16
NROWS = Q * K
NW = 32
RPW = NROWS // NW
NG = RPW // 128

_NEG_INF = float("-inf")
_NEG_BIG = -1e30


def _score_kernel(q_ref, keys_ref, scores_ref, sel_ref, rows_ref, cm_acc,
                  qn_scr):
    qb = pl.program_id(0)
    kt = pl.program_id(1)

    @pl.when(kt == 0)
    def _():
        cm_acc[...] = jnp.full((QB, NCHP), _NEG_BIG, jnp.float32)
        z = q_ref[...]
        zz = z * z
        c = zz[:, 0:8]
        for j in range(1, 16):
            c = c + zz[:, 8 * j:8 * j + 8]
        t1 = c[:, 0:4] + c[:, 4:8]
        t2 = t1[:, 0:2] + t1[:, 2:4]
        ss = t2[:, 0:1] + t2[:, 1:2]
        nrm = lax.rsqrt(ss) * ss
        nrm = jnp.where(ss == 0.0, 0.0, nrm)
        nrm = jnp.maximum(nrm, 1e-12)
        qn_scr[...] = z / nrm

    s = lax.dot_general(qn_scr[...], keys_ref[...], (((1,), (1,)), ((), ())),
                        preferred_element_type=jnp.float32)

    def finish(s):
        scores_ref[...] = s
        cm = jnp.max(s.reshape(QB, CPT, CHUNK), axis=2)
        cm_pad = jnp.concatenate(
            [cm, jnp.full((QB, NCHP - CPT), _NEG_BIG, jnp.float32)], axis=1)
        rolled = pltpu.roll(cm_pad, kt * CPT, axis=1)
        lane = lax.broadcasted_iota(jnp.int32, (QB, NCHP), 1)
        inr = (lane >= kt * CPT) & (lane < kt * CPT + CPT)
        cm_acc[...] = jnp.where(inr, rolled, cm_acc[...])

    @pl.when(kt < KT - 1)
    def _():
        finish(s)

    @pl.when(kt == KT - 1)
    def _():
        col = lax.broadcasted_iota(jnp.int32, (QB, TILE), 1)
        finish(jnp.where(kt * TILE + col < N, s, _NEG_BIG))
        cw = lax.broadcasted_iota(jnp.int32, (QB, NCHP), 1)
        v = jnp.where(cw < NCH, cm_acc[...], _NEG_INF)
        sels = []
        for _ in range(K):
            m = jnp.max(v, axis=1, keepdims=True)
            cj = jnp.min(jnp.where(v == m, cw, jnp.int32(NCHP)),
                         axis=1, keepdims=True)
            sels.append(cj)
            v = jnp.where(cw == cj, _NEG_INF, v)
        sel = jnp.concatenate(sels, axis=1)
        sel_ref[...] = sel
        qi = lax.broadcasted_iota(jnp.int32, (QB, K), 0) + qb * QB
        rows_ref[...] = qi * NCH + sel


def _final_kernel(cand_ref, sel_ref, i_ref, p_ref):
    v = cand_ref[...]
    sel = sel_ref[...]
    base = sel * CHUNK
    w = lax.broadcasted_iota(jnp.int32, (QB, CHUNK), 1)
    g = jnp.concatenate(
        [jnp.broadcast_to(base[:, j:j + 1], (QB, CHUNK)) + w
         for j in range(K)], axis=1)
    big = jnp.int32(1 << 30)
    ds, inds = [], []
    for _ in range(K):
        m = jnp.max(v, axis=1, keepdims=True)
        gi = jnp.min(jnp.where(v == m, g, big), axis=1, keepdims=True)
        ds.append(m)
        inds.append(gi)
        v = jnp.where(g == gi, _NEG_INF, v)
    d = jnp.concatenate(ds, axis=1)
    ind = jnp.concatenate(inds, axis=1)
    nrm = jnp.sqrt(jnp.sum(d * d, axis=1, keepdims=True))
    sims = d / jnp.maximum(nrm, 1e-12)
    mx = jnp.max(sims, axis=1, keepdims=True)
    e = jnp.exp(sims - mx)
    i_ref[...] = ind
    p_ref[...] = e / jnp.sum(e, axis=1, keepdims=True)


@functools.cache
def _make_sc_gather():
    @functools.partial(
        pl.kernel,
        out_type=jax.ShapeDtypeStruct((NROWS, CHUNK), jnp.float32),
        mesh=plsc.VectorSubcoreMesh(core_axis_name="c", subcore_axis_name="s"),
        scratch_types=[
            pltpu.VMEM((NG, 128), jnp.int32),
            pltpu.VMEM((RPW, CHUNK), jnp.float32),
            pltpu.SemaphoreType.DMA,
        ],
    )
    def _sc_gather_kernel(scores_hbm, rowidx_hbm, out_hbm, idx_v, rows_v, sem):
        wid = lax.axis_index("s") * 2 + lax.axis_index("c")
        pltpu.sync_copy(rowidx_hbm.at[wid], idx_v)
        copies = []
        for gidx in range(NG):
            copies.append(pltpu.async_copy(
                scores_hbm.at[idx_v.at[gidx]],
                rows_v.at[pl.ds(gidx * 128, 128)], sem))
        for cp in copies:
            cp.wait()
        pltpu.sync_copy(rows_v, out_hbm.at[pl.ds(wid * RPW, RPW)])

    return _sc_gather_kernel


def _sc_gather(scores2d, rows3):
    return _make_sc_gather()(scores2d, rows3)


def kernel(q_emb, keys, k):
    keys_p = jnp.pad(keys, ((0, NPAD - N), (0, 0)))

    scores, sel, rows = pl.pallas_call(
        _score_kernel,
        grid=(NQB, KT),
        in_specs=[
            pl.BlockSpec((QB, DIM), lambda qb, kt: (qb, 0)),
            pl.BlockSpec((TILE, DIM), lambda qb, kt: (kt, 0)),
        ],
        out_specs=[
            pl.BlockSpec((QB, TILE), lambda qb, kt: (qb, kt)),
            pl.BlockSpec((QB, K), lambda qb, kt: (qb, 0)),
            pl.BlockSpec((QB, K), lambda qb, kt: (qb, 0)),
        ],
        out_shape=[
            jax.ShapeDtypeStruct((Q, NPAD), jnp.float32),
            jax.ShapeDtypeStruct((Q, K), jnp.int32),
            jax.ShapeDtypeStruct((Q, K), jnp.int32),
        ],
        scratch_shapes=[pltpu.VMEM((QB, NCHP), jnp.float32),
                        pltpu.VMEM((QB, DIM), jnp.float32)],
    )(q_emb, keys_p)

    cand = _sc_gather(scores.reshape(Q * NCH, CHUNK),
                      rows.reshape(NW, NG, 128))

    ind, probs = pl.pallas_call(
        _final_kernel,
        grid=(NQB,),
        in_specs=[
            pl.BlockSpec((QB, K * CHUNK), lambda qb: (qb, 0)),
            pl.BlockSpec((QB, K), lambda qb: (qb, 0)),
        ],
        out_specs=[
            pl.BlockSpec((QB, K), lambda qb: (qb, 0)),
            pl.BlockSpec((QB, K), lambda qb: (qb, 0)),
        ],
        out_shape=[
            jax.ShapeDtypeStruct((Q, K), jnp.int32),
            jax.ShapeDtypeStruct((Q, K), jnp.float32),
        ],
    )(cand.reshape(Q, K * CHUNK), sel)

    ind = ind + jnp.asarray(k - K, dtype=ind.dtype)
    return (ind, probs)

# --- scband reference (transcript-rebuilt; emitter-appended) ---
"""Pipeline reference for scband-retriever-21749714387036 (READ-ONLY COPY).

The authoritative reference and input builder live on the scoring server;
editing this copy changes nothing except your own understanding.
"""

import jax, jax.numpy as jnp
import numpy as np


def setup_inputs(seed: int = 0) -> dict:
    key = jax.random.key(seed)
    k1, k2 = jax.random.split(key)
    q_emb = jax.random.normal(k1, (1024, 128), dtype=jnp.float32)
    keys = jax.random.normal(k2, (100000, 128), dtype=jnp.float32)
    return {"q_emb": q_emb, "keys": keys, "k": 16}


def reference(q_emb, keys, k):
    # F.normalize(q_emb, p=2, dim=-1)
    qn = q_emb / jnp.clip(jnp.linalg.norm(q_emb, axis=-1, keepdims=True), 1e-12)
    # IndexFlatIP.search: inner-product scores + top-k (distances D, indices I)
    scores = qn @ keys.T
    k_static = 16
    D, I = jax.lax.top_k(scores, k_static)
    I = I + jnp.asarray(k - k_static, dtype=I.dtype)
    # F.normalize(D, p=2, dim=-1)
    sims = D / jnp.clip(jnp.linalg.norm(D, axis=-1, keepdims=True), 1e-12)
    probs = jax.nn.softmax(sims, axis=-1)
    # docs would be corpus[I]; return indices I in place of docs plus probs
    return (I, probs)

if __name__ == "__main__":
    import jax
    _d = setup_inputs()
    print(jax.jit(kernel)(*tuple(_d.values())))

</pallas_src>

<mosaic_0001>
#map = affine_map<(d0, d1) -> (0, 0)>
#map1 = affine_map<(d0, d1) -> (0, 0, 0)>
module attributes {stable_mosaic.version = 14 : i64} {
  func.func @_sc_gather_kernel(%arg0: i32, %arg1: i32, %arg2: memref<802816x128xf32, #tpu.memory_space<hbm>>, %arg3: memref<32x4x128xi32, #tpu.memory_space<hbm>>, %arg4: memref<16384x128xf32, #tpu.memory_space<hbm>>, %arg5: memref<4x128xi32, #tpu.memory_space<vmem>>, %arg6: memref<512x128xf32, #tpu.memory_space<vmem>>, %arg7: memref<!tpu.dma_semaphore, #tpu.memory_space<semaphore_mem>>) attributes {dimension_semantics = [#tpu.dimension_semantics<core_parallel>, #tpu.dimension_semantics<subcore_parallel>], iteration_bounds = array<i64: 2, 16>, scalar_prefetch = 0 : i64, scratch_operands = 3 : i64, tpu.core_type = #tpu.core_type<sc_vector_subcore>, window_params = [{transform_indices = #map}, {transform_indices = #map1}, {transform_indices = #map}]} {
    %mul3A = arith.constant 2 : i32
    %mul3A_0 = arith.muli %arg1, %mul3A : i32
    %add3A = arith.addi %mul3A_0, %arg0 : i32
    "tpu.region"() ({
      %run_scoped3A = tpu.sem_alloc : memref<!tpu.dma_semaphore, #tpu.memory_space<semaphore_mem>>
      %dma_start3A_81 = arith.constant 0 : i32
      %dma_start3A_82 = arith.constant 0 : i32
      %dma_start3A_83 = tpu.memref_slice %arg3[%add3A, %dma_start3A_81, %dma_start3A_82] : memref<32x4x128xi32, #tpu.memory_space<hbm>> -> memref<1x4x128xi32, #tpu.memory_space<hbm>>
      %dma_start3A_84 = tpu.memref_squeeze %dma_start3A_83 : memref<1x4x128xi32, #tpu.memory_space<hbm>> -> memref<4x128xi32, #tpu.memory_space<hbm>>
      %dma_start3A_85 = arith.constant 0 : i32
      %dma_start3A_86 = arith.constant 0 : i32
      %dma_start3A_87 = tpu.memref_slice %arg3[%add3A, %dma_start3A_85, %dma_start3A_86] : memref<32x4x128xi32, #tpu.memory_space<hbm>> -> memref<1x4x128xi32, #tpu.memory_space<hbm>>
      %dma_start3A_88 = tpu.memref_squeeze %dma_start3A_87 : memref<1x4x128xi32, #tpu.memory_space<hbm>> -> memref<4x128xi32, #tpu.memory_space<hbm>>
      tpu.enqueue_dma source(%dma_start3A_88 : memref<4x128xi32, #tpu.memory_space<hbm>>) target(%arg5 : memref<4x128xi32, #tpu.memory_space<vmem>>) target_semaphore(%run_scoped3A : memref<!tpu.dma_semaphore, #tpu.memory_space<semaphore_mem>>)
      %dma_wait3A_89 = arith.constant 0 : i32
      %dma_wait3A_90 = arith.constant 0 : i32
      %dma_wait3A_91 = tpu.memref_slice %arg3[%add3A, %dma_wait3A_89, %dma_wait3A_90] : memref<32x4x128xi32, #tpu.memory_space<hbm>> -> memref<1x4x128xi32, #tpu.memory_space<hbm>>
      %dma_wait3A_92 = tpu.memref_squeeze %dma_wait3A_91 : memref<1x4x128xi32, #tpu.memory_space<hbm>> -> memref<4x128xi32, #tpu.memory_space<hbm>>
      %dma_wait3A_93 = arith.constant 0 : i32
      %dma_wait3A_94 = arith.constant 0 : i32
      %dma_wait3A_95 = tpu.memref_slice %arg3[%add3A, %dma_wait3A_93, %dma_wait3A_94] : memref<32x4x128xi32, #tpu.memory_space<hbm>> -> memref<1x4x128xi32, #tpu.memory_space<hbm>>
      %dma_wait3A_96 = tpu.memref_squeeze %dma_wait3A_95 : memref<1x4x128xi32, #tpu.memory_space<hbm>> -> memref<4x128xi32, #tpu.memory_space<hbm>>
      tpu.wait_dma2 semaphore(%run_scoped3A : memref<!tpu.dma_semaphore, #tpu.memory_space<semaphore_mem>>) src(%dma_wait3A_96 : memref<4x128xi32, #tpu.memory_space<hbm>>) dst(%arg5 : memref<4x128xi32, #tpu.memory_space<vmem>>)
      tpu.yield
    }) : () -> ()
    %dma_start3A = arith.constant 0 : i32
    %dma_start3A_1 = arith.constant 0 : i32
    %dma_start3A_2 = arith.constant 0 : i32
    %dma_start3A_3 = tpu.memref_slice %arg6[%dma_start3A_1, %dma_start3A_2] : memref<512x128xf32, #tpu.memory_space<vmem>> -> memref<128x128xf32, #tpu.memory_space<vmem>>
    %dma_start3A_4 = arith.constant 0 : i32
    %dma_start3A_5 = tpu.memref_slice %arg5[%dma_start3A, %dma_start3A_4] : memref<4x128xi32, #tpu.memory_space<vmem>> -> memref<1x128xi32, #tpu.memory_space<vmem>>
    %dma_start3A_6 = tpu.memref_squeeze %dma_start3A_5 : memref<1x128xi32, #tpu.memory_space<vmem>> -> memref<128xi32, #tpu.memory_space<vmem>>
    %dma_start3A_7 = arith.constant 0 : i32
    %dma_start3A_8 = arith.constant 0 : i32
    %dma_start3A_9 = tpu.memref_slice %arg2[%dma_start3A_7, %dma_start3A_8] : memref<802816x128xf32, #tpu.memory_space<hbm>> -> memref<802816x128xf32, #tpu.memory_space<hbm>>
    tpu.enqueue_indirect_dma source(%dma_start3A_9 : memref<802816x128xf32, #tpu.memory_space<hbm>>) target(%dma_start3A_3 : memref<128x128xf32, #tpu.memory_space<vmem>>) offsets(%dma_start3A_6 : memref<128xi32, #tpu.memory_space<vmem>>) semaphore(%arg7 : memref<!tpu.dma_semaphore, #tpu.memory_space<semaphore_mem>>)
    %dma_start3A_10 = arith.constant 1 : i32
    %dma_start3A_11 = arith.constant 128 : i32
    %dma_start3A_12 = arith.constant 0 : i32
    %dma_start3A_13 = tpu.memref_slice %arg6[%dma_start3A_11, %dma_start3A_12] : memref<512x128xf32, #tpu.memory_space<vmem>> -> memref<128x128xf32, #tpu.memory_space<vmem>>
    %dma_start3A_14 = arith.constant 0 : i32
    %dma_start3A_15 = tpu.memref_slice %arg5[%dma_start3A_10, %dma_start3A_14] : memref<4x128xi32, #tpu.memory_space<vmem>> -> memref<1x128xi32, #tpu.memory_space<vmem>>
    %dma_start3A_16 = tpu.memref_squeeze %dma_start3A_15 : memref<1x128xi32, #tpu.memory_space<vmem>> -> memref<128xi32, #tpu.memory_space<vmem>>
    %dma_start3A_17 = arith.constant 0 : i32
    %dma_start3A_18 = arith.constant 0 : i32
    %dma_start3A_19 = tpu.memref_slice %arg2[%dma_start3A_17, %dma_start3A_18] : memref<802816x128xf32, #tpu.memory_space<hbm>> -> memref<802816x128xf32, #tpu.memory_space<hbm>>
    tpu.enqueue_indirect_dma source(%dma_start3A_19 : memref<802816x128xf32, #tpu.memory_space<hbm>>) target(%dma_start3A_13 : memref<128x128xf32, #tpu.memory_space<vmem>>) offsets(%dma_start3A_16 : memref<128xi32, #tpu.memory_space<vmem>>) semaphore(%arg7 : memref<!tpu.dma_semaphore, #tpu.memory_space<semaphore_mem>>)
    %dma_start3A_20 = arith.constant 2 : i32
    %dma_start3A_21 = arith.constant 256 : i32
    %dma_start3A_22 = arith.constant 0 : i32
    %dma_start3A_23 = tpu.memref_slice %arg6[%dma_start3A_21, %dma_start3A_22] : memref<512x128xf32, #tpu.memory_space<vmem>> -> memref<128x128xf32, #tpu.memory_space<vmem>>
    %dma_start3A_24 = arith.constant 0 : i32
    %dma_start3A_25 = tpu.memref_slice %arg5[%dma_start3A_20, %dma_start3A_24] : memref<4x128xi32, #tpu.memory_space<vmem>> -> memref<1x128xi32, #tpu.memory_space<vmem>>
    %dma_start3A_26 = tpu.memref_squeeze %dma_start3A_25 : memref<1x128xi32, #tpu.memory_space<vmem>> -> memref<128xi32, #tpu.memory_space<vmem>>
    %dma_start3A_27 = arith.constant 0 : i32
    %dma_start3A_28 = arith.constant 0 : i32
    %dma_start3A_29 = tpu.memref_slice %arg2[%dma_start3A_27, %dma_start3A_28] : memref<802816x128xf32, #tpu.memory_space<hbm>> -> memref<802816x128xf32, #tpu.memory_space<hbm>>
    tpu.enqueue_indirect_dma source(%dma_start3A_29 : memref<802816x128xf32, #tpu.memory_space<hbm>>) target(%dma_start3A_23 : memref<128x128xf32, #tpu.memory_space<vmem>>) offsets(%dma_start3A_26 : memref<128xi32, #tpu.memory_space<vmem>>) semaphore(%arg7 : memref<!tpu.dma_semaphore, #tpu.memory_space<semaphore_mem>>)
    %dma_start3A_30 = arith.constant 3 : i32
    %dma_start3A_31 = arith.constant 384 : i32
    %dma_start3A_32 = arith.constant 0 : i32
    %dma_start3A_33 = tpu.memref_slice %arg6[%dma_start3A_31, %dma_start3A_32] : memref<512x128xf32, #tpu.memory_space<vmem>> -> memref<128x128xf32, #tpu.memory_space<vmem>>
    %dma_start3A_34 = arith.constant 0 : i32
    %dma_start3A_35 = tpu.memref_slice %arg5[%dma_start3A_30, %dma_start3A_34] : memref<4x128xi32, #tpu.memory_space<vmem>> -> memref<1x128xi32, #tpu.memory_space<vmem>>
    %dma_start3A_36 = tpu.memref_squeeze %dma_start3A_35 : memref<1x128xi32, #tpu.memory_space<vmem>> -> memref<128xi32, #tpu.memory_space<vmem>>
    %dma_start3A_37 = arith.constant 0 : i32
    %dma_start3A_38 = arith.constant 0 : i32
    %dma_start3A_39 = tpu.memref_slice %arg2[%dma_start3A_37, %dma_start3A_38] : memref<802816x128xf32, #tpu.memory_space<hbm>> -> memref<802816x128xf32, #tpu.memory_space<hbm>>
    tpu.enqueue_indirect_dma source(%dma_start3A_39 : memref<802816x128xf32, #tpu.memory_space<hbm>>) target(%dma_start3A_33 : memref<128x128xf32, #tpu.memory_space<vmem>>) offsets(%dma_start3A_36 : memref<128xi32, #tpu.memory_space<vmem>>) semaphore(%arg7 : memref<!tpu.dma_semaphore, #tpu.memory_space<semaphore_mem>>)
    %dma_wait3A = arith.constant 0 : i32
    %dma_wait3A_40 = arith.constant 0 : i32
    %dma_wait3A_41 = arith.constant 0 : i32
    %dma_wait3A_42 = tpu.memref_slice %arg6[%dma_wait3A_40, %dma_wait3A_41] : memref<512x128xf32, #tpu.memory_space<vmem>> -> memref<128x128xf32, #tpu.memory_space<vmem>>
    %dma_wait3A_43 = arith.constant 0 : i32
    %dma_wait3A_44 = tpu.memref_slice %arg5[%dma_wait3A, %dma_wait3A_43] : memref<4x128xi32, #tpu.memory_space<vmem>> -> memref<1x128xi32, #tpu.memory_space<vmem>>
    %dma_wait3A_45 = tpu.memref_squeeze %dma_wait3A_44 : memref<1x128xi32, #tpu.memory_space<vmem>> -> memref<128xi32, #tpu.memory_space<vmem>>
    %dma_wait3A_46 = arith.constant 0 : i32
    %dma_wait3A_47 = arith.constant 0 : i32
    %dma_wait3A_48 = tpu.memref_slice %arg2[%dma_wait3A_46, %dma_wait3A_47] : memref<802816x128xf32, #tpu.memory_space<hbm>> -> memref<802816x128xf32, #tpu.memory_space<hbm>>
    tpu.wait_indirect_dma semaphore(%arg7 : memref<!tpu.dma_semaphore, #tpu.memory_space<semaphore_mem>>) src(%dma_wait3A_48 : memref<802816x128xf32, #tpu.memory_space<hbm>>) dst(%dma_wait3A_42 : memref<128x128xf32, #tpu.memory_space<vmem>>)
    %dma_wait3A_49 = arith.constant 1 : i32
    %dma_wait3A_50 = arith.constant 128 : i32
    %dma_wait3A_51 = arith.constant 0 : i32
    %dma_wait3A_52 = tpu.memref_slice %arg6[%dma_wait3A_50, %dma_wait3A_51] : memref<512x128xf32, #tpu.memory_space<vmem>> -> memref<128x128xf32, #tpu.memory_space<vmem>>
    %dma_wait3A_53 = arith.constant 0 : i32
    %dma_wait3A_54 = tpu.memref_slice %arg5[%dma_wait3A_49, %dma_wait3A_53] : memref<4x128xi32, #tpu.memory_space<vmem>> -> memref<1x128xi32, #tpu.memory_space<vmem>>
    %dma_wait3A_55 = tpu.memref_squeeze %dma_wait3A_54 : memref<1x128xi32, #tpu.memory_space<vmem>> -> memref<128xi32, #tpu.memory_space<vmem>>
    %dma_wait3A_56 = arith.constant 0 : i32
    %dma_wait3A_57 = arith.constant 0 : i32
    %dma_wait3A_58 = tpu.memref_slice %arg2[%dma_wait3A_56, %dma_wait3A_57] : memref<802816x128xf32, #tpu.memory_space<hbm>> -> memref<802816x128xf32, #tpu.memory_space<hbm>>
    tpu.wait_indirect_dma semaphore(%arg7 : memref<!tpu.dma_semaphore, #tpu.memory_space<semaphore_mem>>) src(%dma_wait3A_58 : memref<802816x128xf32, #tpu.memory_space<hbm>>) dst(%dma_wait3A_52 : memref<128x128xf32, #tpu.memory_space<vmem>>)
    %dma_wait3A_59 = arith.constant 2 : i32
    %dma_wait3A_60 = arith.constant 256 : i32
    %dma_wait3A_61 = arith.constant 0 : i32
    %dma_wait3A_62 = tpu.memref_slice %arg6[%dma_wait3A_60, %dma_wait3A_61] : memref<512x128xf32, #tpu.memory_space<vmem>> -> memref<128x128xf32, #tpu.memory_space<vmem>>
    %dma_wait3A_63 = arith.constant 0 : i32
    %dma_wait3A_64 = tpu.memref_slice %arg5[%dma_wait3A_59, %dma_wait3A_63] : memref<4x128xi32, #tpu.memory_space<vmem>> -> memref<1x128xi32, #tpu.memory_space<vmem>>
    %dma_wait3A_65 = tpu.memref_squeeze %dma_wait3A_64 : memref<1x128xi32, #tpu.memory_space<vmem>> -> memref<128xi32, #tpu.memory_space<vmem>>
    %dma_wait3A_66 = arith.constant 0 : i32
    %dma_wait3A_67 = arith.constant 0 : i32
    %dma_wait3A_68 = tpu.memref_slice %arg2[%dma_wait3A_66, %dma_wait3A_67] : memref<802816x128xf32, #tpu.memory_space<hbm>> -> memref<802816x128xf32, #tpu.memory_space<hbm>>
    tpu.wait_indirect_dma semaphore(%arg7 : memref<!tpu.dma_semaphore, #tpu.memory_space<semaphore_mem>>) src(%dma_wait3A_68 : memref<802816x128xf32, #tpu.memory_space<hbm>>) dst(%dma_wait3A_62 : memref<128x128xf32, #tpu.memory_space<vmem>>)
    %dma_wait3A_69 = arith.constant 3 : i32
    %dma_wait3A_70 = arith.constant 384 : i32
    %dma_wait3A_71 = arith.constant 0 : i32
    %dma_wait3A_72 = tpu.memref_slice %arg6[%dma_wait3A_70, %dma_wait3A_71] : memref<512x128xf32, #tpu.memory_space<vmem>> -> memref<128x128xf32, #tpu.memory_space<vmem>>
    %dma_wait3A_73 = arith.constant 0 : i32
    %dma_wait3A_74 = tpu.memref_slice %arg5[%dma_wait3A_69, %dma_wait3A_73] : memref<4x128xi32, #tpu.memory_space<vmem>> -> memref<1x128xi32, #tpu.memory_space<vmem>>
    %dma_wait3A_75 = tpu.memref_squeeze %dma_wait3A_74 : memref<1x128xi32, #tpu.memory_space<vmem>> -> memref<128xi32, #tpu.memory_space<vmem>>
    %dma_wait3A_76 = arith.constant 0 : i32
    %dma_wait3A_77 = arith.constant 0 : i32
    %dma_wait3A_78 = tpu.memref_slice %arg2[%dma_wait3A_76, %dma_wait3A_77] : memref<802816x128xf32, #tpu.memory_space<hbm>> -> memref<802816x128xf32, #tpu.memory_space<hbm>>
    tpu.wait_indirect_dma semaphore(%arg7 : memref<!tpu.dma_semaphore, #tpu.memory_space<semaphore_mem>>) src(%dma_wait3A_78 : memref<802816x128xf32, #tpu.memory_space<hbm>>) dst(%dma_wait3A_72 : memref<128x128xf32, #tpu.memory_space<vmem>>)
    %mul3A_79 = arith.constant 512 : i32
    %mul3A_80 = arith.muli %add3A, %mul3A_79 : i32
    "tpu.region"() ({
      %run_scoped3A = tpu.sem_alloc : memref<!tpu.dma_semaphore, #tpu.memory_space<semaphore_mem>>
      %dma_start3A_81 = arith.constant 0 : i32
      %dma_start3A_82 = tpu.memref_slice %arg4[%mul3A_80, %dma_start3A_81] : memref<16384x128xf32, #tpu.memory_space<hbm>> -> memref<512x128xf32, #tpu.memory_space<hbm>>
      %dma_start3A_83 = arith.constant 0 : i32
      %dma_start3A_84 = tpu.memref_slice %arg4[%mul3A_80, %dma_start3A_83] : memref<16384x128xf32, #tpu.memory_space<hbm>> -> memref<512x128xf32, #tpu.memory_space<hbm>>
      tpu.enqueue_dma source(%arg6 : memref<512x128xf32, #tpu.memory_space<vmem>>) target(%dma_start3A_84 : memref<512x128xf32, #tpu.memory_space<hbm>>) target_semaphore(%run_scoped3A : memref<!tpu.dma_semaphore, #tpu.memory_space<semaphore_mem>>)
      %dma_wait3A_85 = arith.constant 0 : i32
      %dma_wait3A_86 = tpu.memref_slice %arg4[%mul3A_80, %dma_wait3A_85] : memref<16384x128xf32, #tpu.memory_space<hbm>> -> memref<512x128xf32, #tpu.memory_space<hbm>>
      %dma_wait3A_87 = arith.constant 0 : i32
      %dma_wait3A_88 = tpu.memref_slice %arg4[%mul3A_80, %dma_wait3A_87] : memref<16384x128xf32, #tpu.memory_space<hbm>> -> memref<512x128xf32, #tpu.memory_space<hbm>>
      tpu.wait_dma2 semaphore(%run_scoped3A : memref<!tpu.dma_semaphore, #tpu.memory_space<semaphore_mem>>) src(%arg6 : memref<512x128xf32, #tpu.memory_space<vmem>>) dst(%dma_wait3A_88 : memref<512x128xf32, #tpu.memory_space<hbm>>)
      tpu.yield
    }) : () -> ()
    return
  }
}

module attributes {stable_mosaic.version = 14 : i64} {
  func.func @_score_kernel(%arg0: i32, %arg1: i32, %arg2: memref<512x128xf32, #tpu.memory_space<vmem>>, %arg3: memref<3584x128xf32, #tpu.memory_space<vmem>>, %arg4: memref<512x3584xf32, #tpu.memory_space<vmem>>, %arg5: memref<512x16xi32, #tpu.memory_space<vmem>>, %arg6: memref<512x16xi32, #tpu.memory_space<vmem>>, %arg7: memref<512x896xf32, #tpu.memory_space<vmem>>, %arg8: memref<512x128xf32, #tpu.memory_space<vmem>>) attributes {dimension_semantics = [#tpu.dimension_semantics<arbitrary>, #tpu.dimension_semantics<arbitrary>], iteration_bounds = array<i64: 2, 28>, scalar_prefetch = 0 : i64, scratch_operands = 2 : i64, tpu.core_type = #tpu.core_type<tc>, window_params = [{transform_indices = @transform_0, window_bounds = array<i64: 512, 128>}, {transform_indices = @transform_1, window_bounds = array<i64: 3584, 128>}, {transform_indices = @transform_2, window_bounds = array<i64: 512, 3584>}, {transform_indices = @transform_3, window_bounds = array<i64: 512, 16>}, {transform_indices = @transform_4, window_bounds = array<i64: 512, 16>}]} {
    %eq3A = arith.constant 0 : i32
    %eq3A_0 = arith.cmpi eq, %arg1, %eq3A : i32
    %convert_element_type3A = arith.extui %eq3A_0 : i1 to i32
    %cond3A = arith.constant 0 : i32
    %cond3A_1 = arith.cmpi ne, %convert_element_type3A, %cond3A : i32
    scf.if %cond3A_1 {
      %broadcast_in_dim3A = arith.constant -1.000000e+30 : f32
      %broadcast_in_dim3A_17 = vector.broadcast %broadcast_in_dim3A : f32 to vector<512x896xf32>
      %swap3A = arith.constant 0 : index
      %swap3A_18 = arith.constant 0 : index
      %swap3A_19 = vector.load %arg7[%swap3A, %swap3A_18] : memref<512x896xf32, #tpu.memory_space<vmem>>, vector<512x896xf32>
      tpu.vector_store %arg7[%swap3A, %swap3A_18], %broadcast_in_dim3A_17 {strides = array<i32>} : memref<512x896xf32, #tpu.memory_space<vmem>>, vector<512x896xf32>,
      %get3A_20 = arith.constant 0 : index
      %get3A_21 = arith.constant 0 : index
      %get3A_22 = vector.load %arg2[%get3A_20, %get3A_21] : memref<512x128xf32, #tpu.memory_space<vmem>>, vector<512x128xf32>
      %mul3A = arith.mulf %get3A_22, %get3A_22 : vector<512x128xf32>
      %slice3A = vector.extract_strided_slice %mul3A {offsets = [0, 0], sizes = [512, 8], strides = [1, 1]} : vector<512x128xf32> to vector<512x8xf32>
      %slice3A_23 = vector.extract_strided_slice %mul3A {offsets = [0, 8], sizes = [512, 8], strides = [1, 1]} : vector<512x128xf32> to vector<512x8xf32>
      %add3A = arith.addf %slice3A, %slice3A_23 : vector<512x8xf32>
      %slice3A_24 = vector.extract_strided_slice %mul3A {offsets = [0, 16], sizes = [512, 8], strides = [1, 1]} : vector<512x128xf32> to vector<512x8xf32>
      %add3A_25 = arith.addf %add3A, %slice3A_24 : vector<512x8xf32>
      %slice3A_26 = vector.extract_strided_slice %mul3A {offsets = [0, 24], sizes = [512, 8], strides = [1, 1]} : vector<512x128xf32> to vector<512x8xf32>
      %add3A_27 = arith.addf %add3A_25, %slice3A_26 : vector<512x8xf32>
      %slice3A_28 = vector.extract_strided_slice %mul3A {offsets = [0, 32], sizes = [512, 8], strides = [1, 1]} : vector<512x128xf32> to vector<512x8xf32>
      %add3A_29 = arith.addf %add3A_27, %slice3A_28 : vector<512x8xf32>
      %slice3A_30 = vector.extract_strided_slice %mul3A {offsets = [0, 40], sizes = [512, 8], strides = [1, 1]} : vector<512x128xf32> to vector<512x8xf32>
      %add3A_31 = arith.addf %add3A_29, %slice3A_30 : vector<512x8xf32>
      %slice3A_32 = vector.extract_strided_slice %mul3A {offsets = [0, 48], sizes = [512, 8], strides = [1, 1]} : vector<512x128xf32> to vector<512x8xf32>
      %add3A_33 = arith.addf %add3A_31, %slice3A_32 : vector<512x8xf32>
      %slice3A_34 = vector.extract_strided_slice %mul3A {offsets = [0, 56], sizes = [512, 8], strides = [1, 1]} : vector<512x128xf32> to vector<512x8xf32>
      %add3A_35 = arith.addf %add3A_33, %slice3A_34 : vector<512x8xf32>
      %slice3A_36 = vector.extract_strided_slice %mul3A {offsets = [0, 64], sizes = [512, 8], strides = [1, 1]} : vector<512x128xf32> to vector<512x8xf32>
      %add3A_37 = arith.addf %add3A_35, %slice3A_36 : vector<512x8xf32>
      %slice3A_38 = vector.extract_strided_slice %mul3A {offsets = [0, 72], sizes = [512, 8], strides = [1, 1]} : vector<512x128xf32> to vector<512x8xf32>
      %add3A_39 = arith.addf %add3A_37, %slice3A_38 : vector<512x8xf32>
      %slice3A_40 = vector.extract_strided_slice %mul3A {offsets = [0, 80], sizes = [512, 8], strides = [1, 1]} : vector<512x128xf32> to vector<512x8xf32>
      %add3A_41 = arith.addf %add3A_39, %slice3A_40 : vector<512x8xf32>
      %slice3A_42 = vector.extract_strided_slice %mul3A {offsets = [0, 88], sizes = [512, 8], strides = [1, 1]} : vector<512x128xf32> to vector<512x8xf32>
      %add3A_43 = arith.addf %add3A_41, %slice3A_42 : vector<512x8xf32>
      %slice3A_44 = vector.extract_strided_slice %mul3A {offsets = [0, 96], sizes = [512, 8], strides = [1, 1]} : vector<512x128xf32> to vector<512x8xf32>
      %add3A_45 = arith.addf %add3A_43, %slice3A_44 : vector<512x8xf32>
      %slice3A_46 = vector.extract_strided_slice %mul3A {offsets = [0, 104], sizes = [512, 8], strides = [1, 1]} : vector<512x128xf32> to vector<512x8xf32>
      %add3A_47 = arith.addf %add3A_45, %slice3A_46 : vector<512x8xf32>
      %slice3A_48 = vector.extract_strided_slice %mul3A {offsets = [0, 112], sizes = [512, 8], strides = [1, 1]} : vector<512x128xf32> to vector<512x8xf32>
      %add3A_49 = arith.addf %add3A_47, %slice3A_48 : vector<512x8xf32>
      %slice3A_50 = vector.extract_strided_slice %mul3A {offsets = [0, 120], sizes = [512, 8], strides = [1, 1]} : vector<512x128xf32> to vector<512x8xf32>
      %add3A_51 = arith.addf %add3A_49, %slice3A_50 : vector<512x8xf32>
      %slice3A_52 = vector.extract_strided_slice %add3A_51 {offsets = [0, 0], sizes = [512, 4], strides = [1, 1]} : vector<512x8xf32> to vector<512x4xf32>
      %slice3A_53 = vector.extract_strided_slice %add3A_51 {offsets = [0, 4], sizes = [512, 4], strides = [1, 1]} : vector<512x8xf32> to vector<512x4xf32>
      %add3A_54 = arith.addf %slice3A_52, %slice3A_53 : vector<512x4xf32>
      %slice3A_55 = vector.extract_strided_slice %add3A_54 {offsets = [0, 0], sizes = [512, 2], strides = [1, 1]} : vector<512x4xf32> to vector<512x2xf32>
      %slice3A_56 = vector.extract_strided_slice %add3A_54 {offsets = [0, 2], sizes = [512, 2], strides = [1, 1]} : vector<512x4xf32> to vector<512x2xf32>
      %add3A_57 = arith.addf %slice3A_55, %slice3A_56 : vector<512x2xf32>
      %slice3A_58 = vector.extract_strided_slice %add3A_57 {offsets = [0, 0], sizes = [512, 1], strides = [1, 1]} : vector<512x2xf32> to vector<512x1xf32>
      %slice3A_59 = vector.extract_strided_slice %add3A_57 {offsets = [0, 1], sizes = [512, 1], strides = [1, 1]} : vector<512x2xf32> to vector<512x1xf32>
      %add3A_60 = arith.addf %slice3A_58, %slice3A_59 : vector<512x1xf32>
      %rsqrt3A = math.rsqrt %add3A_60 : vector<512x1xf32>
      %mul3A_61 = arith.mulf %rsqrt3A, %add3A_60 : vector<512x1xf32>
      %eq3A_62 = arith.constant 0.000000e+00 : f32
      %eq3A_63 = vector.broadcast %eq3A_62 : f32 to vector<512x1xf32>
      %eq3A_64 = arith.cmpf oeq, %add3A_60, %eq3A_63 : vector<512x1xf32>
      %jit3A = arith.constant 0.000000e+00 : f32
      %broadcast_in_dim3A_65 = vector.broadcast %jit3A : f32 to vector<512x1xf32>
      %select_n3A = arith.select %eq3A_64, %broadcast_in_dim3A_65, %mul3A_61 : vector<512x1xi1>, vector<512x1xf32>
      %max3A = arith.constant 9.99999996E-13 : f32
      %max3A_66 = vector.broadcast %max3A : f32 to vector<512x1xf32>
      %max3A_67 = arith.maximumf %select_n3A, %max3A_66 : vector<512x1xf32>
      %div3A = vector.broadcast %max3A_67 : vector<512x1xf32> to vector<512x128xf32>
      %div3A_68 = arith.divf %get3A_22, %div3A : vector<512x128xf32>
      %swap3A_69 = arith.constant 0 : index
      %swap3A_70 = arith.constant 0 : index
      %swap3A_71 = vector.load %arg8[%swap3A_69, %swap3A_70] : memref<512x128xf32, #tpu.memory_space<vmem>>, vector<512x128xf32>
      tpu.vector_store %arg8[%swap3A_69, %swap3A_70], %div3A_68 {strides = array<i32>} : memref<512x128xf32, #tpu.memory_space<vmem>>, vector<512x128xf32>,
    } else {
    }
    %get3A = arith.constant 0 : index
    %get3A_2 = arith.constant 0 : index
    %get3A_3 = vector.load %arg8[%get3A, %get3A_2] : memref<512x128xf32, #tpu.memory_space<vmem>>, vector<512x128xf32>
    %get3A_4 = arith.constant 0 : index
    %get3A_5 = arith.constant 0 : index
    %get3A_6 = vector.load %arg3[%get3A_4, %get3A_5] : memref<3584x128xf32, #tpu.memory_space<vmem>>, vector<3584x128xf32>
    %dot_general3A = arith.constant dense<0.000000e+00> : vector<512x3584xf32>
    %dot_general3A_7 = tpu.matmul %get3A_3, %get3A_6, %dot_general3A {dimension_numbers = #tpu.dot_dimension_numbers<[1], [1], [0], [0], [0, 0, 1, 0], [], []>, transpose_lhs_hint = false} : vector<512x128xf32>, vector<3584x128xf32>, vector<512x3584xf32> -> vector<512x3584xf32>
    %lt3A = arith.constant 27 : i32
    %lt3A_8 = arith.cmpi slt, %arg1, %lt3A : i32
    %convert_element_type3A_9 = arith.extui %lt3A_8 : i1 to i32
    %cond3A_10 = arith.constant 0 : i32
    %cond3A_11 = arith.cmpi ne, %convert_element_type3A_9, %cond3A_10 : i32
    scf.if %cond3A_11 {
      %swap3A = arith.constant 0 : index
      %swap3A_17 = arith.constant 0 : index
      %swap3A_18 = vector.load %arg4[%swap3A, %swap3A_17] : memref<512x3584xf32, #tpu.memory_space<vmem>>, vector<512x3584xf32>
      tpu.vector_store %arg4[%swap3A, %swap3A_17], %dot_general3A_7 {strides = array<i32>} : memref<512x3584xf32, #tpu.memory_space<vmem>>, vector<512x3584xf32>,
      %reshape3A = vector.shape_cast %dot_general3A_7 : vector<512x3584xf32> to vector<512x28x128xf32>
      %reduce_max3A = arith.constant dense<0xFF800000> : vector<512x28xf32>
      %reduce_max3A_19 = vector.multi_reduction <maximumf>, %reshape3A, %reduce_max3A [2] : vector<512x28x128xf32> to vector<512x28xf32>
      %broadcast_in_dim3A = arith.constant -1.000000e+30 : f32
      %broadcast_in_dim3A_20 = vector.broadcast %broadcast_in_dim3A : f32 to vector<512x868xf32>
      %concatenate3A = tpu.concatenate %reduce_max3A_19, %broadcast_in_dim3A_20 in 1 : vector<512x28xf32>, vector<512x868xf32> -> vector<512x896xf32>
      %mul3A = arith.constant 28 : i32
      %mul3A_21 = arith.muli %arg1, %mul3A : i32
      %roll3A = tpu.dynamic_rotate %concatenate3A by %mul3A_21 dim 1 : vector<512x896xf32>, i32 -> vector<512x896xf32>
      %iota3A = tpu.iota {dimensions = array<i32: 1>} : vector<512x896xi32>
      %mul3A_22 = arith.constant 28 : i32
      %mul3A_23 = arith.muli %arg1, %mul3A_22 : i32
      %ge3A = vector.broadcast %mul3A_23 : i32 to vector<512x896xi32>
      %ge3A_24 = arith.cmpi sge, %iota3A, %ge3A : vector<512x896xi32>
      %mul3A_25 = arith.constant 28 : i32
      %mul3A_26 = arith.muli %arg1, %mul3A_25 : i32
      %add3A = arith.constant 28 : i32
      %add3A_27 = arith.addi %mul3A_26, %add3A : i32
      %lt3A_28 = vector.broadcast %add3A_27 : i32 to vector<512x896xi32>
      %lt3A_29 = arith.cmpi slt, %iota3A, %lt3A_28 : vector<512x896xi32>
      %and3A = arith.andi %ge3A_24, %lt3A_29 : vector<512x896xi1>
      %get3A_30 = arith.constant 0 : index
      %get3A_31 = arith.constant 0 : index
      %get3A_32 = vector.load %arg7[%get3A_30, %get3A_31] : memref<512x896xf32, #tpu.memory_space<vmem>>, vector<512x896xf32>
      %select_n3A = arith.select %and3A, %roll3A, %get3A_32 : vector<512x896xi1>, vector<512x896xf32>
      %swap3A_33 = arith.constant 0 : index
      %swap3A_34 = arith.constant 0 : index
      %swap3A_35 = vector.load %arg7[%swap3A_33, %swap3A_34] : memref<512x896xf32, #tpu.memory_space<vmem>>, vector<512x896xf32>
      tpu.vector_store %arg7[%swap3A_33, %swap3A_34], %select_n3A {strides = array<i32>} : memref<512x896xf32, #tpu.memory_space<vmem>>, vector<512x896xf32>,
    } else {
    }
    %eq3A_12 = arith.constant 27 : i32
    %eq3A_13 = arith.cmpi eq, %arg1, %eq3A_12 : i32
    %convert_element_type3A_14 = arith.extui %eq3A_13 : i1 to i32
    %cond3A_15 = arith.constant 0 : i32
    %cond3A_16 = arith.cmpi ne, %convert_element_type3A_14, %cond3A_15 : i32
    scf.if %cond3A_16 {
      %iota3A = tpu.iota {dimensions = array<i32: 1>} : vector<512x3584xi32>
      %mul3A = arith.constant 3584 : i32
      %mul3A_17 = arith.muli %arg1, %mul3A : i32
      %add3A = vector.broadcast %mul3A_17 : i32 to vector<512x3584xi32>
      %add3A_18 = arith.addi %add3A, %iota3A : vector<512x3584xi32>
      %lt3A_19 = arith.constant 100000 : i32
      %lt3A_20 = vector.broadcast %lt3A_19 : i32 to vector<512x3584xi32>
      %lt3A_21 = arith.cmpi slt, %add3A_18, %lt3A_20 : vector<512x3584xi32>
      %jit3A = arith.constant -1.000000e+30 : f32
      %broadcast_in_dim3A = vector.broadcast %jit3A : f32 to vector<512x3584xf32>
      %select_n3A = arith.select %lt3A_21, %dot_general3A_7, %broadcast_in_dim3A : vector<512x3584xi1>, vector<512x3584xf32>
      %swap3A = arith.constant 0 : index
      %swap3A_22 = arith.constant 0 : index
      %swap3A_23 = vector.load %arg4[%swap3A, %swap3A_22] : memref<512x3584xf32, #tpu.memory_space<vmem>>, vector<512x3584xf32>
      tpu.vector_store %arg4[%swap3A, %swap3A_22], %select_n3A {strides = array<i32>} : memref<512x3584xf32, #tpu.memory_space<vmem>>, vector<512x3584xf32>,
      %reshape3A = vector.shape_cast %select_n3A : vector<512x3584xf32> to vector<512x28x128xf32>
      %reduce_max3A = arith.constant dense<0xFF800000> : vector<512x28xf32>
      %reduce_max3A_24 = vector.multi_reduction <maximumf>, %reshape3A, %reduce_max3A [2] : vector<512x28x128xf32> to vector<512x28xf32>
      %broadcast_in_dim3A_25 = arith.constant -1.000000e+30 : f32
      %broadcast_in_dim3A_26 = vector.broadcast %broadcast_in_dim3A_25 : f32 to vector<512x868xf32>
      %concatenate3A = tpu.concatenate %reduce_max3A_24, %broadcast_in_dim3A_26 in 1 : vector<512x28xf32>, vector<512x868xf32> -> vector<512x896xf32>
      %mul3A_27 = arith.constant 28 : i32
      %mul3A_28 = arith.muli %arg1, %mul3A_27 : i32
      %roll3A = tpu.dynamic_rotate %concatenate3A by %mul3A_28 dim 1 : vector<512x896xf32>, i32 -> vector<512x896xf32>
      %iota3A_29 = tpu.iota {dimensions = array<i32: 1>} : vector<512x896xi32>
      %mul3A_30 = arith.constant 28 : i32
      %mul3A_31 = arith.muli %arg1, %mul3A_30 : i32
      %ge3A = vector.broadcast %mul3A_31 : i32 to vector<512x896xi32>
      %ge3A_32 = arith.cmpi sge, %iota3A_29, %ge3A : vector<512x896xi32>
      %mul3A_33 = arith.constant 28 : i32
      %mul3A_34 = arith.muli %arg1, %mul3A_33 : i32
      %add3A_35 = arith.constant 28 : i32
      %add3A_36 = arith.addi %mul3A_34, %add3A_35 : i32
      %lt3A_37 = vector.broadcast %add3A_36 : i32 to vector<512x896xi32>
      %lt3A_38 = arith.cmpi slt, %iota3A_29, %lt3A_37 : vector<512x896xi32>
      %and3A = arith.andi %ge3A_32, %lt3A_38 : vector<512x896xi1>
      %get3A_39 = arith.constant 0 : index
      %get3A_40 = arith.constant 0 : index
      %get3A_41 = vector.load %arg7[%get3A_39, %get3A_40] : memref<512x896xf32, #tpu.memory_space<vmem>>, vector<512x896xf32>
      %select_n3A_42 = arith.select %and3A, %roll3A, %get3A_41 : vector<512x896xi1>, vector<512x896xf32>
      %swap3A_43 = arith.constant 0 : index
      %swap3A_44 = arith.constant 0 : index
      %swap3A_45 = vector.load %arg7[%swap3A_43, %swap3A_44] : memref<512x896xf32, #tpu.memory_space<vmem>>, vector<512x896xf32>
      tpu.vector_store %arg7[%swap3A_43, %swap3A_44], %select_n3A_42 {strides = array<i32>} : memref<512x896xf32, #tpu.memory_space<vmem>>, vector<512x896xf32>,
      %iota3A_46 = tpu.iota {dimensions = array<i32: 1>} : vector<512x896xi32>
      %lt3A_47 = arith.constant 784 : i32
      %lt3A_48 = vector.broadcast %lt3A_47 : i32 to vector<512x896xi32>
      %lt3A_49 = arith.cmpi slt, %iota3A_46, %lt3A_48 : vector<512x896xi32>
      %get3A_50 = arith.constant 0 : index
      %get3A_51 = arith.constant 0 : index
      %get3A_52 = vector.load %arg7[%get3A_50, %get3A_51] : memref<512x896xf32, #tpu.memory_space<vmem>>, vector<512x896xf32>
      %jit3A_53 = arith.constant 0xFF800000 : f32
      %broadcast_in_dim3A_54 = vector.broadcast %jit3A_53 : f32 to vector<512x896xf32>
      %select_n3A_55 = arith.select %lt3A_49, %get3A_52, %broadcast_in_dim3A_54 : vector<512x896xi1>, vector<512x896xf32>
      %reduce_max3A_56 = arith.constant dense<0xFF800000> : vector<512xf32>
      %reduce_max3A_57 = vector.multi_reduction <maximumf>, %select_n3A_55, %reduce_max3A_56 [1] : vector<512x896xf32> to vector<512xf32>
      %broadcast_in_dim3A_58 = vector.shape_cast %reduce_max3A_57 : vector<512xf32> to vector<512x1xf32>
      %eq3A_59 = vector.broadcast %broadcast_in_dim3A_58 : vector<512x1xf32> to vector<512x896xf32>
      %eq3A_60 = arith.cmpf oeq, %select_n3A_55, %eq3A_59 : vector<512x896xf32>
      %jit3A_61 = arith.constant 896 : i32
      %broadcast_in_dim3A_62 = vector.broadcast %jit3A_61 : i32 to vector<512x896xi32>
      %select_n3A_63 = arith.select %eq3A_60, %iota3A_46, %broadcast_in_dim3A_62 : vector<512x896xi1>, vector<512x896xi32>
      %reduce_min3A = arith.constant dense<2147483647> : vector<512xi32>
      %reduce_min3A_64 = vector.multi_reduction <minsi>, %select_n3A_63, %reduce_min3A [1] : vector<512x896xi32> to vector<512xi32>
      %broadcast_in_dim3A_65 = vector.shape_cast %reduce_min3A_64 : vector<512xi32> to vector<512x1xi32>
      %eq3A_66 = vector.broadcast %broadcast_in_dim3A_65 : vector<512x1xi32> to vector<512x896xi32>
      %eq3A_67 = arith.cmpi eq, %iota3A_46, %eq3A_66 : vector<512x896xi32>
      %jit3A_68 = arith.constant 0xFF800000 : f32
      %broadcast_in_dim3A_69 = vector.broadcast %jit3A_68 : f32 to vector<512x896xf32>
      %select_n3A_70 = arith.select %eq3A_67, %broadcast_in_dim3A_69, %select_n3A_55 : vector<512x896xi1>, vector<512x896xf32>
      %reduce_max3A_71 = arith.constant dense<0xFF800000> : vector<512xf32>
      %reduce_max3A_72 = vector.multi_reduction <maximumf>, %select_n3A_70, %reduce_max3A_71 [1] : vector<512x896xf32> to vector<512xf32>
      %broadcast_in_dim3A_73 = vector.shape_cast %reduce_max3A_72 : vector<512xf32> to vector<512x1xf32>
      %eq3A_74 = vector.broadcast %broadcast_in_dim3A_73 : vector<512x1xf32> to vector<512x896xf32>
      %eq3A_75 = arith.cmpf oeq, %select_n3A_70, %eq3A_74 : vector<512x896xf32>
      %jit3A_76 = arith.constant 896 : i32
      %broadcast_in_dim3A_77 = vector.broadcast %jit3A_76 : i32 to vector<512x896xi32>
      %select_n3A_78 = arith.select %eq3A_75, %iota3A_46, %broadcast_in_dim3A_77 : vector<512x896xi1>, vector<512x896xi32>
      %reduce_min3A_79 = arith.constant dense<2147483647> : vector<512xi32>
      %reduce_min3A_80 = vector.multi_reduction <minsi>, %select_n3A_78, %reduce_min3A_79 [1] : vector<512x896xi32> to vector<512xi32>
      %broadcast_in_dim3A_81 = vector.shape_cast %reduce_min3A_80 : vector<512xi32> to vector<512x1xi32>
      %eq3A_82 = vector.broadcast %broadcast_in_dim3A_81 : vector<512x1xi32> to vector<512x896xi32>
      %eq3A_83 = arith.cmpi eq, %iota3A_46, %eq3A_82 : vector<512x896xi32>
      %jit3A_84 = arith.constant 0xFF800000 : f32
      %broadcast_in_dim3A_85 = vector.broadcast %jit3A_84 : f32 to vector<512x896xf32>
      %select_n3A_86 = arith.select %eq3A_83, %broadcast_in_dim3A_85, %select_n3A_70 : vector<512x896xi1>, vector<512x896xf32>
      %reduce_max3A_87 = arith.constant dense<0xFF800000> : vector<512xf32>
      %reduce_max3A_88 = vector.multi_reduction <maximumf>, %select_n3A_86, %reduce_max3A_87 [1] : vector<512x896xf32> to vector<512xf32>
      %broadcast_in_dim3A_89 = vector.shape_cast %reduce_max3A_88 : vector<512xf32> to vector<512x1xf32>
      %eq3A_90 = vector.broadcast %broadcast_in_dim3A_89 : vector<512x1xf32> to vector<512x896xf32>
      %eq3A_91 = arith.cmpf oeq, %select_n3A_86, %eq3A_90 : vector<512x896xf32>
      %jit3A_92 = arith.constant 896 : i32
      %broadcast_in_dim3A_93 = vector.broadcast %jit3A_92 : i32 to vector<512x896xi32>
      %select_n3A_94 = arith.select %eq3A_91, %iota3A_46, %broadcast_in_dim3A_93 : vector<512x896xi1>, vector<512x896xi32>
      %reduce_min3A_95 = arith.constant dense<2147483647> : vector<512xi32>
      %reduce_min3A_96 = vector.multi_reduction <minsi>, %select_n3A_94, %reduce_min3A_95 [1] : vector<512x896xi32> to vector<512xi32>
      %broadcast_in_dim3A_97 = vector.shape_cast %reduce_min3A_96 : vector<512xi32> to vector<512x1xi32>
      %eq3A_98 = vector.broadcast %broadcast_in_dim3A_97 : vector<512x1xi32> to vector<512x896xi32>
      %eq3A_99 = arith.cmpi eq, %iota3A_46, %eq3A_98 : vector<512x896xi32>
      %jit3A_100 = arith.constant 0xFF800000 : f32
      %broadcast_in_dim3A_101 = vector.broadcast %jit3A_100 : f32 to vector<512x896xf32>
      %select_n3A_102 = arith.select %eq3A_99, %broadcast_in_dim3A_101, %select_n3A_86 : vector<512x896xi1>, vector<512x896xf32>
      %reduce_max3A_103 = arith.constant dense<0xFF800000> : vector<512xf32>
      %reduce_max3A_104 = vector.multi_reduction <maximumf>, %select_n3A_102, %reduce_max3A_103 [1] : vector<512x896xf32> to vector<512xf32>
      %broadcast_in_dim3A_105 = vector.shape_cast %reduce_max3A_104 : vector<512xf32> to vector<512x1xf32>
      %eq3A_106 = vector.broadcast %broadcast_in_dim3A_105 : vector<512x1xf32> to vector<512x896xf32>
      %eq3A_107 = arith.cmpf oeq, %select_n3A_102, %eq3A_106 : vector<512x896xf32>
      %jit3A_108 = arith.constant 896 : i32
      %broadcast_in_dim3A_109 = vector.broadcast %jit3A_108 : i32 to vector<512x896xi32>
      %select_n3A_110 = arith.select %eq3A_107, %iota3A_46, %broadcast_in_dim3A_109 : vector<512x896xi1>, vector<512x896xi32>
      %reduce_min3A_111 = arith.constant dense<2147483647> : vector<512xi32>
      %reduce_min3A_112 = vector.multi_reduction <minsi>, %select_n3A_110, %reduce_min3A_111 [1] : vector<512x896xi32> to vector<512xi32>
      %broadcast_in_dim3A_113 = vector.shape_cast %reduce_min3A_112 : vector<512xi32> to vector<512x1xi32>
      %eq3A_114 = vector.broadcast %broadcast_in_dim3A_113 : vector<512x1xi32> to vector<512x896xi32>
      %eq3A_115 = arith.cmpi eq, %iota3A_46, %eq3A_114 : vector<512x896xi32>
      %jit3A_116 = arith.constant 0xFF800000 : f32
      %broadcast_in_dim3A_117 = vector.broadcast %jit3A_116 : f32 to vector<512x896xf32>
      %select_n3A_118 = arith.select %eq3A_115, %broadcast_in_dim3A_117, %select_n3A_102 : vector<512x896xi1>, vector<512x896xf32>
      %reduce_max3A_119 = arith.constant dense<0xFF800000> : vector<512xf32>
      %reduce_max3A_120 = vector.multi_reduction <maximumf>, %select_n3A_118, %reduce_max3A_119 [1] : vector<512x896xf32> to vector<512xf32>
      %broadcast_in_dim3A_121 = vector.shape_cast %reduce_max3A_120 : vector<512xf32> to vector<512x1xf32>
      %eq3A_122 = vector.broadcast %broadcast_in_dim3A_121 : vector<512x1xf32> to vector<512x896xf32>
      %eq3A_123 = arith.cmpf oeq, %select_n3A_118, %eq3A_122 : vector<512x896xf32>
      %jit3A_124 = arith.constant 896 : i32
      %broadcast_in_dim3A_125 = vector.broadcast %jit3A_124 : i32 to vector<512x896xi32>
      %select_n3A_126 = arith.select %eq3A_123, %iota3A_46, %broadcast_in_dim3A_125 : vector<512x896xi1>, vector<512x896xi32>
      %reduce_min3A_127 = arith.constant dense<2147483647> : vector<512xi32>
      %reduce_min3A_128 = vector.multi_reduction <minsi>, %select_n3A_126, %reduce_min3A_127 [1] : vector<512x896xi32> to vector<512xi32>
      %broadcast_in_dim3A_129 = vector.shape_cast %reduce_min3A_128 : vector<512xi32> to vector<512x1xi32>
      %eq3A_130 = vector.broadcast %broadcast_in_dim3A_129 : vector<512x1xi32> to vector<512x896xi32>
      %eq3A_131 = arith.cmpi eq, %iota3A_46, %eq3A_130 : vector<512x896xi32>
      %jit3A_132 = arith.constant 0xFF800000 : f32
      %broadcast_in_dim3A_133 = vector.broadcast %jit3A_132 : f32 to vector<512x896xf32>
      %select_n3A_134 = arith.select %eq3A_131, %broadcast_in_dim3A_133, %select_n3A_118 : vector<512x896xi1>, vector<512x896xf32>
      %reduce_max3A_135 = arith.constant dense<0xFF800000> : vector<512xf32>
      %reduce_max3A_136 = vector.multi_reduction <maximumf>, %select_n3A_134, %reduce_max3A_135 [1] : vector<512x896xf32> to vector<512xf32>
      %broadcast_in_dim3A_137 = vector.shape_cast %reduce_max3A_136 : vector<512xf32> to vector<512x1xf32>
      %eq3A_138 = vector.broadcast %broadcast_in_dim3A_137 : vector<512x1xf32> to vector<512x896xf32>
      %eq3A_139 = arith.cmpf oeq, %select_n3A_134, %eq3A_138 : vector<512x896xf32>
      %jit3A_140 = arith.constant 896 : i32
      %broadcast_in_dim3A_141 = vector.broadcast %jit3A_140 : i32 to vector<512x896xi32>
      %select_n3A_142 = arith.select %eq3A_139, %iota3A_46, %broadcast_in_dim3A_141 : vector<512x896xi1>, vector<512x896xi32>
      %reduce_min3A_143 = arith.constant dense<2147483647> : vector<512xi32>
      %reduce_min3A_144 = vector.multi_reduction <minsi>, %select_n3A_142, %reduce_min3A_143 [1] : vector<512x896xi32> to vector<512xi32>
      %broadcast_in_dim3A_145 = vector.shape_cast %reduce_min3A_144 : vector<512xi32> to vector<512x1xi32>
      %eq3A_146 = vector.broadcast %broadcast_in_dim3A_145 : vector<512x1xi32> to vector<512x896xi32>
      %eq3A_147 = arith.cmpi eq, %iota3A_46, %eq3A_146 : vector<512x896xi32>
      %jit3A_148 = arith.constant 0xFF800000 : f32
      %broadcast_in_dim3A_149 = vector.broadcast %jit3A_148 : f32 to vector<512x896xf32>
      %select_n3A_150 = arith.select %eq3A_147, %broadcast_in_dim3A_149, %select_n3A_134 : vector<512x896xi1>, vector<512x896xf32>
      %reduce_max3A_151 = arith.constant dense<0xFF800000> : vector<512xf32>
      %reduce_max3A_152 = vector.multi_reduction <maximumf>, %select_n3A_150, %reduce_max3A_151 [1] : vector<512x896xf32> to vector<512xf32>
      %broadcast_in_dim3A_153 = vector.shape_cast %reduce_max3A_152 : vector<512xf32> to vector<512x1xf32>
      %eq3A_154 = vector.broadcast %broadcast_in_dim3A_153 : vector<512x1xf32> to vector<512x896xf32>
      %eq3A_155 = arith.cmpf oeq, %select_n3A_150, %eq3A_154 : vector<512x896xf32>
      %jit3A_156 = arith.constant 896 : i32
      %broadcast_in_dim3A_157 = vector.broadcast %jit3A_156 : i32 to vector<512x896xi32>
      %select_n3A_158 = arith.select %eq3A_155, %iota3A_46, %broadcast_in_dim3A_157 : vector<512x896xi1>, vector<512x896xi32>
      %reduce_min3A_159 = arith.constant dense<2147483647> : vector<512xi32>
      %reduce_min3A_160 = vector.multi_reduction <minsi>, %select_n3A_158, %reduce_min3A_159 [1] : vector<512x896xi32> to vector<512xi32>
      %broadcast_in_dim3A_161 = vector.shape_cast %reduce_min3A_160 : vector<512xi32> to vector<512x1xi32>
      %eq3A_162 = vector.broadcast %broadcast_in_dim3A_161 : vector<512x1xi32> to vector<512x896xi32>
      %eq3A_163 = arith.cmpi eq, %iota3A_46, %eq3A_162 : vector<512x896xi32>
      %jit3A_164 = arith.constant 0xFF800000 : f32
      %broadcast_in_dim3A_165 = vector.broadcast %jit3A_164 : f32 to vector<512x896xf32>
      %select_n3A_166 = arith.select %eq3A_163, %broadcast_in_dim3A_165, %select_n3A_150 : vector<512x896xi1>, vector<512x896xf32>
      %reduce_max3A_167 = arith.constant dense<0xFF800000> : vector<512xf32>
      %reduce_max3A_168 = vector.multi_reduction <maximumf>, %select_n3A_166, %reduce_max3A_167 [1] : vector<512x896xf32> to vector<512xf32>
      %broadcast_in_dim3A_169 = vector.shape_cast %reduce_max3A_168 : vector<512xf32> to vector<512x1xf32>
      %eq3A_170 = vector.broadcast %broadcast_in_dim3A_169 : vector<512x1xf32> to vector<512x896xf32>
      %eq3A_171 = arith.cmpf oeq, %select_n3A_166, %eq3A_170 : vector<512x896xf32>
      %jit3A_172 = arith.constant 896 : i32
      %broadcast_in_dim3A_173 = vector.broadcast %jit3A_172 : i32 to vector<512x896xi32>
      %select_n3A_174 = arith.select %eq3A_171, %iota3A_46, %broadcast_in_dim3A_173 : vector<512x896xi1>, vector<512x896xi32>
      %reduce_min3A_175 = arith.constant dense<2147483647> : vector<512xi32>
      %reduce_min3A_176 = vector.multi_reduction <minsi>, %select_n3A_174, %reduce_min3A_175 [1] : vector<512x896xi32> to vector<512xi32>
      %broadcast_in_dim3A_177 = vector.shape_cast %reduce_min3A_176 : vector<512xi32> to vector<512x1xi32>
      %eq3A_178 = vector.broadcast %broadcast_in_dim3A_177 : vector<512x1xi32> to vector<512x896xi32>
      %eq3A_179 = arith.cmpi eq, %iota3A_46, %eq3A_178 : vector<512x896xi32>
      %jit3A_180 = arith.constant 0xFF800000 : f32
      %broadcast_in_dim3A_181 = vector.broadcast %jit3A_180 : f32 to vector<512x896xf32>
      %select_n3A_182 = arith.select %eq3A_179, %broadcast_in_dim3A_181, %select_n3A_166 : vector<512x896xi1>, vector<512x896xf32>
      %reduce_max3A_183 = arith.constant dense<0xFF800000> : vector<512xf32>
      %reduce_max3A_184 = vector.multi_reduction <maximumf>, %select_n3A_182, %reduce_max3A_183 [1] : vector<512x896xf32> to vector<512xf32>
      %broadcast_in_dim3A_185 = vector.shape_cast %reduce_max3A_184 : vector<512xf32> to vector<512x1xf32>
      %eq3A_186 = vector.broadcast %broadcast_in_dim3A_185 : vector<512x1xf32> to vector<512x896xf32>
      %eq3A_187 = arith.cmpf oeq, %select_n3A_182, %eq3A_186 : vector<512x896xf32>
      %jit3A_188 = arith.constant 896 : i32
      %broadcast_in_dim3A_189 = vector.broadcast %jit3A_188 : i32 to vector<512x896xi32>
      %select_n3A_190 = arith.select %eq3A_187, %iota3A_46, %broadcast_in_dim3A_189 : vector<512x896xi1>, vector<512x896xi32>
      %reduce_min3A_191 = arith.constant dense<2147483647> : vector<512xi32>
      %reduce_min3A_192 = vector.multi_reduction <minsi>, %select_n3A_190, %reduce_min3A_191 [1] : vector<512x896xi32> to vector<512xi32>
      %broadcast_in_dim3A_193 = vector.shape_cast %reduce_min3A_192 : vector<512xi32> to vector<512x1xi32>
      %eq3A_194 = vector.broadcast %broadcast_in_dim3A_193 : vector<512x1xi32> to vector<512x896xi32>
      %eq3A_195 = arith.cmpi eq, %iota3A_46, %eq3A_194 : vector<512x896xi32>
      %jit3A_196 = arith.constant 0xFF800000 : f32
      %broadcast_in_dim3A_197 = vector.broadcast %jit3A_196 : f32 to vector<512x896xf32>
      %select_n3A_198 = arith.select %eq3A_195, %broadcast_in_dim3A_197, %select_n3A_182 : vector<512x896xi1>, vector<512x896xf32>
      %reduce_max3A_199 = arith.constant dense<0xFF800000> : vector<512xf32>
      %reduce_max3A_200 = vector.multi_reduction <maximumf>, %select_n3A_198, %reduce_max3A_199 [1] : vector<512x896xf32> to vector<512xf32>
      %broadcast_in_dim3A_201 = vector.shape_cast %reduce_max3A_200 : vector<512xf32> to vector<512x1xf32>
      %eq3A_202 = vector.broadcast %broadcast_in_dim3A_201 : vector<512x1xf32> to vector<512x896xf32>
      %eq3A_203 = arith.cmpf oeq, %select_n3A_198, %eq3A_202 : vector<512x896xf32>
      %jit3A_204 = arith.constant 896 : i32
      %broadcast_in_dim3A_205 = vector.broadcast %jit3A_204 : i32 to vector<512x896xi32>
      %select_n3A_206 = arith.select %eq3A_203, %iota3A_46, %broadcast_in_dim3A_205 : vector<512x896xi1>, vector<512x896xi32>
      %reduce_min3A_207 = arith.constant dense<2147483647> : vector<512xi32>
      %reduce_min3A_208 = vector.multi_reduction <minsi>, %select_n3A_206, %reduce_min3A_207 [1] : vector<512x896xi32> to vector<512xi32>
      %broadcast_in_dim3A_209 = vector.shape_cast %reduce_min3A_208 : vector<512xi32> to vector<512x1xi32>
      %eq3A_210 = vector.broadcast %broadcast_in_dim3A_209 : vector<512x1xi32> to vector<512x896xi32>
      %eq3A_211 = arith.cmpi eq, %iota3A_46, %eq3A_210 : vector<512x896xi32>
      %jit3A_212 = arith.constant 0xFF800000 : f32
      %broadcast_in_dim3A_213 = vector.broadcast %jit3A_212 : f32 to vector<512x896xf32>
      %select_n3A_214 = arith.select %eq3A_211, %broadcast_in_dim3A_213, %select_n3A_198 : vector<512x896xi1>, vector<512x896xf32>
      %reduce_max3A_215 = arith.constant dense<0xFF800000> : vector<512xf32>
      %reduce_max3A_216 = vector.multi_reduction <maximumf>, %select_n3A_214, %reduce_max3A_215 [1] : vector<512x896xf32> to vector<512xf32>
      %broadcast_in_dim3A_217 = vector.shape_cast %reduce_max3A_216 : vector<512xf32> to vector<512x1xf32>
      %eq3A_218 = vector.broadcast %broadcast_in_dim3A_217 : vector<512x1xf32> to vector<512x896xf32>
      %eq3A_219 = arith.cmpf oeq, %select_n3A_214, %eq3A_218 : vector<512x896xf32>
      %jit3A_220 = arith.constant 896 : i32
      %broadcast_in_dim3A_221 = vector.broadcast %jit3A_220 : i32 to vector<512x896xi32>
      %select_n3A_222 = arith.select %eq3A_219, %iota3A_46, %broadcast_in_dim3A_221 : vector<512x896xi1>, vector<512x896xi32>
      %reduce_min3A_223 = arith.constant dense<2147483647> : vector<512xi32>
      %reduce_min3A_224 = vector.multi_reduction <minsi>, %select_n3A_222, %reduce_min3A_223 [1] : vector<512x896xi32> to vector<512xi32>
      %broadcast_in_dim3A_225 = vector.shape_cast %reduce_min3A_224 : vector<512xi32> to vector<512x1xi32>
      %eq3A_226 = vector.broadcast %broadcast_in_dim3A_225 : vector<512x1xi32> to vector<512x896xi32>
      %eq3A_227 = arith.cmpi eq, %iota3A_46, %eq3A_226 : vector<512x896xi32>
      %jit3A_228 = arith.constant 0xFF800000 : f32
      %broadcast_in_dim3A_229 = vector.broadcast %jit3A_228 : f32 to vector<512x896xf32>
      %select_n3A_230 = arith.select %eq3A_227, %broadcast_in_dim3A_229, %select_n3A_214 : vector<512x896xi1>, vector<512x896xf32>
      %reduce_max3A_231 = arith.constant dense<0xFF800000> : vector<512xf32>
      %reduce_max3A_232 = vector.multi_reduction <maximumf>, %select_n3A_230, %reduce_max3A_231 [1] : vector<512x896xf32> to vector<512xf32>
      %broadcast_in_dim3A_233 = vector.shape_cast %reduce_max3A_232 : vector<512xf32> to vector<512x1xf32>
      %eq3A_234 = vector.broadcast %broadcast_in_dim3A_233 : vector<512x1xf32> to vector<512x896xf32>
      %eq3A_235 = arith.cmpf oeq, %select_n3A_230, %eq3A_234 : vector<512x896xf32>
      %jit3A_236 = arith.constant 896 : i32
      %broadcast_in_dim3A_237 = vector.broadcast %jit3A_236 : i32 to vector<512x896xi32>
      %select_n3A_238 = arith.select %eq3A_235, %iota3A_46, %broadcast_in_dim3A_237 : vector<512x896xi1>, vector<512x896xi32>
      %reduce_min3A_239 = arith.constant dense<2147483647> : vector<512xi32>
      %reduce_min3A_240 = vector.multi_reduction <minsi>, %select_n3A_238, %reduce_min3A_239 [1] : vector<512x896xi32> to vector<512xi32>
      %broadcast_in_dim3A_241 = vector.shape_cast %reduce_min3A_240 : vector<512xi32> to vector<512x1xi32>
      %eq3A_242 = vector.broadcast %broadcast_in_dim3A_241 : vector<512x1xi32> to vector<512x896xi32>
      %eq3A_243 = arith.cmpi eq, %iota3A_46, %eq3A_242 : vector<512x896xi32>
      %jit3A_244 = arith.constant 0xFF800000 : f32
      %broadcast_in_dim3A_245 = vector.broadcast %jit3A_244 : f32 to vector<512x896xf32>
      %select_n3A_246 = arith.select %eq3A_243, %broadcast_in_dim3A_245, %select_n3A_230 : vector<512x896xi1>, vector<512x896xf32>
      %reduce_max3A_247 = arith.constant dense<0xFF800000> : vector<512xf32>
      %reduce_max3A_248 = vector.multi_reduction <maximumf>, %select_n3A_246, %reduce_max3A_247 [1] : vector<512x896xf32> to vector<512xf32>
      %broadcast_in_dim3A_249 = vector.shape_cast %reduce_max3A_248 : vector<512xf32> to vector<512x1xf32>
      %eq3A_250 = vector.broadcast %broadcast_in_dim3A_249 : vector<512x1xf32> to vector<512x896xf32>
      %eq3A_251 = arith.cmpf oeq, %select_n3A_246, %eq3A_250 : vector<512x896xf32>
      %jit3A_252 = arith.constant 896 : i32
      %broadcast_in_dim3A_253 = vector.broadcast %jit3A_252 : i32 to vector<512x896xi32>
      %select_n3A_254 = arith.select %eq3A_251, %iota3A_46, %broadcast_in_dim3A_253 : vector<512x896xi1>, vector<512x896xi32>
      %reduce_min3A_255 = arith.constant dense<2147483647> : vector<512xi32>
      %reduce_min3A_256 = vector.multi_reduction <minsi>, %select_n3A_254, %reduce_min3A_255 [1] : vector<512x896xi32> to vector<512xi32>
      %broadcast_in_dim3A_257 = vector.shape_cast %reduce_min3A_256 : vector<512xi32> to vector<512x1xi32>
      %eq3A_258 = vector.broadcast %broadcast_in_dim3A_257 : vector<512x1xi32> to vector<512x896xi32>
      %eq3A_259 = arith.cmpi eq, %iota3A_46, %eq3A_258 : vector<512x896xi32>
      %jit3A_260 = arith.constant 0xFF800000 : f32
      %broadcast_in_dim3A_261 = vector.broadcast %jit3A_260 : f32 to vector<512x896xf32>
      %select_n3A_262 = arith.select %eq3A_259, %broadcast_in_dim3A_261, %select_n3A_246 : vector<512x896xi1>, vector<512x896xf32>
      %reduce_max3A_263 = arith.constant dense<0xFF800000> : vector<512xf32>
      %reduce_max3A_264 = vector.multi_reduction <maximumf>, %select_n3A_262, %reduce_max3A_263 [1] : vector<512x896xf32> to vector<512xf32>
      %broadcast_in_dim3A_265 = vector.shape_cast %reduce_max3A_264 : vector<512xf32> to vector<512x1xf32>
      %eq3A_266 = vector.broadcast %broadcast_in_dim3A_265 : vector<512x1xf32> to vector<512x896xf32>
      %eq3A_267 = arith.cmpf oeq, %select_n3A_262, %eq3A_266 : vector<512x896xf32>
      %jit3A_268 = arith.constant 896 : i32
      %broadcast_in_dim3A_269 = vector.broadcast %jit3A_268 : i32 to vector<512x896xi32>
      %select_n3A_270 = arith.select %eq3A_267, %iota3A_46, %broadcast_in_dim3A_269 : vector<512x896xi1>, vector<512x896xi32>
      %reduce_min3A_271 = arith.constant dense<2147483647> : vector<512xi32>
      %reduce_min3A_272 = vector.multi_reduction <minsi>, %select_n3A_270, %reduce_min3A_271 [1] : vector<512x896xi32> to vector<512xi32>
      %broadcast_in_dim3A_273 = vector.shape_cast %reduce_min3A_272 : vector<512xi32> to vector<512x1xi32>
      %eq3A_274 = vector.broadcast %broadcast_in_dim3A_273 : vector<512x1xi32> to vector<512x896xi32>
      %eq3A_275 = arith.cmpi eq, %iota3A_46, %eq3A_274 : vector<512x896xi32>
      %jit3A_276 = arith.constant 0xFF800000 : f32
      %broadcast_in_dim3A_277 = vector.broadcast %jit3A_276 : f32 to vector<512x896xf32>
      %select_n3A_278 = arith.select %eq3A_275, %broadcast_in_dim3A_277, %select_n3A_262 : vector<512x896xi1>, vector<512x896xf32>
      %reduce_max3A_279 = arith.constant dense<0xFF800000> : vector<512xf32>
      %reduce_max3A_280 = vector.multi_reduction <maximumf>, %select_n3A_278, %reduce_max3A_279 [1] : vector<512x896xf32> to vector<512xf32>
      %broadcast_in_dim3A_281 = vector.shape_cast %reduce_max3A_280 : vector<512xf32> to vector<512x1xf32>
      %eq3A_282 = vector.broadcast %broadcast_in_dim3A_281 : vector<512x1xf32> to vector<512x896xf32>
      %eq3A_283 = arith.cmpf oeq, %select_n3A_278, %eq3A_282 : vector<512x896xf32>
      %jit3A_284 = arith.constant 896 : i32
      %broadcast_in_dim3A_285 = vector.broadcast %jit3A_284 : i32 to vector<512x896xi32>
      %select_n3A_286 = arith.select %eq3A_283, %iota3A_46, %broadcast_in_dim3A_285 : vector<512x896xi1>, vector<512x896xi32>
      %reduce_min3A_287 = arith.constant dense<2147483647> : vector<512xi32>
      %reduce_min3A_288 = vector.multi_reduction <minsi>, %select_n3A_286, %reduce_min3A_287 [1] : vector<512x896xi32> to vector<512xi32>
      %broadcast_in_dim3A_289 = vector.shape_cast %reduce_min3A_288 : vector<512xi32> to vector<512x1xi32>
      %eq3A_290 = vector.broadcast %broadcast_in_dim3A_289 : vector<512x1xi32> to vector<512x896xi32>
      %eq3A_291 = arith.cmpi eq, %iota3A_46, %eq3A_290 : vector<512x896xi32>
      %jit3A_292 = arith.constant 0xFF800000 : f32
      %broadcast_in_dim3A_293 = vector.broadcast %jit3A_292 : f32 to vector<512x896xf32>
      %select_n3A_294 = arith.select %eq3A_291, %broadcast_in_dim3A_293, %select_n3A_278 : vector<512x896xi1>, vector<512x896xf32>
      %reduce_max3A_295 = arith.constant dense<0xFF800000> : vector<512xf32>
      %reduce_max3A_296 = vector.multi_reduction <maximumf>, %select_n3A_294, %reduce_max3A_295 [1] : vector<512x896xf32> to vector<512xf32>
      %broadcast_in_dim3A_297 = vector.shape_cast %reduce_max3A_296 : vector<512xf32> to vector<512x1xf32>
      %eq3A_298 = vector.broadcast %broadcast_in_dim3A_297 : vector<512x1xf32> to vector<512x896xf32>
      %eq3A_299 = arith.cmpf oeq, %select_n3A_294, %eq3A_298 : vector<512x896xf32>
      %jit3A_300 = arith.constant 896 : i32
      %broadcast_in_dim3A_301 = vector.broadcast %jit3A_300 : i32 to vector<512x896xi32>
      %select_n3A_302 = arith.select %eq3A_299, %iota3A_46, %broadcast_in_dim3A_301 : vector<512x896xi1>, vector<512x896xi32>
      %reduce_min3A_303 = arith.constant dense<2147483647> : vector<512xi32>
      %reduce_min3A_304 = vector.multi_reduction <minsi>, %select_n3A_302, %reduce_min3A_303 [1] : vector<512x896xi32> to vector<512xi32>
      %broadcast_in_dim3A_305 = vector.shape_cast %reduce_min3A_304 : vector<512xi32> to vector<512x1xi32>
      %concatenate3A_306 = tpu.concatenate %broadcast_in_dim3A_65, %broadcast_in_dim3A_81, %broadcast_in_dim3A_97, %broadcast_in_dim3A_113, %broadcast_in_dim3A_129, %broadcast_in_dim3A_145, %broadcast_in_dim3A_161, %broadcast_in_dim3A_177, %broadcast_in_dim3A_193, %broadcast_in_dim3A_209, %broadcast_in_dim3A_225, %broadcast_in_dim3A_241, %broadcast_in_dim3A_257, %broadcast_in_dim3A_273, %broadcast_in_dim3A_289, %broadcast_in_dim3A_305 in 1 : vector<512x1xi32>, vector<512x1xi32>, vector<512x1xi32>, vector<512x1xi32>, vector<512x1xi32>, vector<512x1xi32>, vector<512x1xi32>, vector<512x1xi32>, vector<512x1xi32>, vector<512x1xi32>, vector<512x1xi32>, vector<512x1xi32>, vector<512x1xi32>, vector<512x1xi32>, vector<512x1xi32>, vector<512x1xi32> -> vector<512x16xi32>
      %swap3A_307 = arith.constant 0 : index
      %swap3A_308 = arith.constant 0 : index
      %swap3A_309 = vector.load %arg5[%swap3A_307, %swap3A_308] : memref<512x16xi32, #tpu.memory_space<vmem>>, vector<512x16xi32>
      tpu.vector_store %arg5[%swap3A_307, %swap3A_308], %concatenate3A_306 {strides = array<i32>} : memref<512x16xi32, #tpu.memory_space<vmem>>, vector<512x16xi32>,
      %iota3A_310 = tpu.iota {dimensions = array<i32: 0>} : vector<512x16xi32>
      %mul3A_311 = arith.constant 512 : i32
      %mul3A_312 = arith.muli %arg0, %mul3A_311 : i32
      %add3A_313 = vector.broadcast %mul3A_312 : i32 to vector<512x16xi32>
      %add3A_314 = arith.addi %iota3A_310, %add3A_313 : vector<512x16xi32>
      %mul3A_315 = arith.constant 784 : i32
      %mul3A_316 = vector.broadcast %mul3A_315 : i32 to vector<512x16xi32>
      %mul3A_317 = arith.muli %add3A_314, %mul3A_316 : vector<512x16xi32>
      %add3A_318 = arith.addi %mul3A_317, %concatenate3A_306 : vector<512x16xi32>
      %swap3A_319 = arith.constant 0 : index
      %swap3A_320 = arith.constant 0 : index
      %swap3A_321 = vector.load %arg6[%swap3A_319, %swap3A_320] : memref<512x16xi32, #tpu.memory_space<vmem>>, vector<512x16xi32>
      tpu.vector_store %arg6[%swap3A_319, %swap3A_320], %add3A_318 {strides = array<i32>} : memref<512x16xi32, #tpu.memory_space<vmem>>, vector<512x16xi32>,
    } else {
    }
    return
  }
  func.func @transform_0(%arg0: i32, %arg1: i32) -> (i32, i32) {
    %c0_i32 = arith.constant 0 : i32
    %c0_i32_0 = arith.constant 0 : i32
    return %arg0, %c0_i32 : i32, i32
  }
  func.func @transform_1(%arg0: i32, %arg1: i32) -> (i32, i32) {
    %c0_i32 = arith.constant 0 : i32
    %c0_i32_0 = arith.constant 0 : i32
    return %arg1, %c0_i32 : i32, i32
  }
  func.func @transform_2(%arg0: i32, %arg1: i32) -> (i32, i32) {
    %c0_i32 = arith.constant 0 : i32
    return %arg0, %arg1 : i32, i32
  }
  func.func @transform_3(%arg0: i32, %arg1: i32) -> (i32, i32) {
    %c0_i32 = arith.constant 0 : i32
    %c0_i32_0 = arith.constant 0 : i32
    return %arg0, %c0_i32 : i32, i32
  }
  func.func @transform_4(%arg0: i32, %arg1: i32) -> (i32, i32) {
    %c0_i32 = arith.constant 0 : i32
    %c0_i32_0 = arith.constant 0 : i32
    return %arg0, %c0_i32 : i32, i32
  }
}

module attributes {stable_mosaic.version = 14 : i64} {
  func.func @_final_kernel(%arg0: i32, %arg1: memref<512x2048xf32, #tpu.memory_space<vmem>>, %arg2: memref<512x16xi32, #tpu.memory_space<vmem>>, %arg3: memref<512x16xi32, #tpu.memory_space<vmem>>, %arg4: memref<512x16xf32, #tpu.memory_space<vmem>>) attributes {dimension_semantics = [#tpu.dimension_semantics<arbitrary>], iteration_bounds = array<i64: 2>, scalar_prefetch = 0 : i64, scratch_operands = 0 : i64, tpu.core_type = #tpu.core_type<tc>, window_params = [{transform_indices = @transform_0, window_bounds = array<i64: 512, 2048>}, {transform_indices = @transform_1, window_bounds = array<i64: 512, 16>}, {transform_indices = @transform_2, window_bounds = array<i64: 512, 16>}, {transform_indices = @transform_3, window_bounds = array<i64: 512, 16>}]} {
    %get3A = arith.constant 0 : index
    %get3A_0 = arith.constant 0 : index
    %get3A_1 = vector.load %arg1[%get3A, %get3A_0] : memref<512x2048xf32, #tpu.memory_space<vmem>>, vector<512x2048xf32>
    %get3A_2 = arith.constant 0 : index
    %get3A_3 = arith.constant 0 : index
    %get3A_4 = vector.load %arg2[%get3A_2, %get3A_3] : memref<512x16xi32, #tpu.memory_space<vmem>>, vector<512x16xi32>
    %mul3A = arith.constant 128 : i32
    %mul3A_5 = vector.broadcast %mul3A : i32 to vector<512x16xi32>
    %mul3A_6 = arith.muli %get3A_4, %mul3A_5 : vector<512x16xi32>
    %iota3A = tpu.iota {dimensions = array<i32: 1>} : vector<512x128xi32>
    %slice3A = vector.extract_strided_slice %mul3A_6 {offsets = [0, 0], sizes = [512, 1], strides = [1, 1]} : vector<512x16xi32> to vector<512x1xi32>
    %broadcast_in_dim3A = vector.shape_cast %slice3A : vector<512x1xi32> to vector<512x1xi32>
    %broadcast_in_dim3A_7 = vector.broadcast %broadcast_in_dim3A : vector<512x1xi32> to vector<512x128xi32>
    %add3A = arith.addi %broadcast_in_dim3A_7, %iota3A : vector<512x128xi32>
    %slice3A_8 = vector.extract_strided_slice %mul3A_6 {offsets = [0, 1], sizes = [512, 1], strides = [1, 1]} : vector<512x16xi32> to vector<512x1xi32>
    %broadcast_in_dim3A_9 = vector.shape_cast %slice3A_8 : vector<512x1xi32> to vector<512x1xi32>
    %broadcast_in_dim3A_10 = vector.broadcast %broadcast_in_dim3A_9 : vector<512x1xi32> to vector<512x128xi32>
    %add3A_11 = arith.addi %broadcast_in_dim3A_10, %iota3A : vector<512x128xi32>
    %slice3A_12 = vector.extract_strided_slice %mul3A_6 {offsets = [0, 2], sizes = [512, 1], strides = [1, 1]} : vector<512x16xi32> to vector<512x1xi32>
    %broadcast_in_dim3A_13 = vector.shape_cast %slice3A_12 : vector<512x1xi32> to vector<512x1xi32>
    %broadcast_in_dim3A_14 = vector.broadcast %broadcast_in_dim3A_13 : vector<512x1xi32> to vector<512x128xi32>
    %add3A_15 = arith.addi %broadcast_in_dim3A_14, %iota3A : vector<512x128xi32>
    %slice3A_16 = vector.extract_strided_slice %mul3A_6 {offsets = [0, 3], sizes = [512, 1], strides = [1, 1]} : vector<512x16xi32> to vector<512x1xi32>
    %broadcast_in_dim3A_17 = vector.shape_cast %slice3A_16 : vector<512x1xi32> to vector<512x1xi32>
    %broadcast_in_dim3A_18 = vector.broadcast %broadcast_in_dim3A_17 : vector<512x1xi32> to vector<512x128xi32>
    %add3A_19 = arith.addi %broadcast_in_dim3A_18, %iota3A : vector<512x128xi32>
    %slice3A_20 = vector.extract_strided_slice %mul3A_6 {offsets = [0, 4], sizes = [512, 1], strides = [1, 1]} : vector<512x16xi32> to vector<512x1xi32>
    %broadcast_in_dim3A_21 = vector.shape_cast %slice3A_20 : vector<512x1xi32> to vector<512x1xi32>
    %broadcast_in_dim3A_22 = vector.broadcast %broadcast_in_dim3A_21 : vector<512x1xi32> to vector<512x128xi32>
    %add3A_23 = arith.addi %broadcast_in_dim3A_22, %iota3A : vector<512x128xi32>
    %slice3A_24 = vector.extract_strided_slice %mul3A_6 {offsets = [0, 5], sizes = [512, 1], strides = [1, 1]} : vector<512x16xi32> to vector<512x1xi32>
    %broadcast_in_dim3A_25 = vector.shape_cast %slice3A_24 : vector<512x1xi32> to vector<512x1xi32>
    %broadcast_in_dim3A_26 = vector.broadcast %broadcast_in_dim3A_25 : vector<512x1xi32> to vector<512x128xi32>
    %add3A_27 = arith.addi %broadcast_in_dim3A_26, %iota3A : vector<512x128xi32>
    %slice3A_28 = vector.extract_strided_slice %mul3A_6 {offsets = [0, 6], sizes = [512, 1], strides = [1, 1]} : vector<512x16xi32> to vector<512x1xi32>
    %broadcast_in_dim3A_29 = vector.shape_cast %slice3A_28 : vector<512x1xi32> to vector<512x1xi32>
    %broadcast_in_dim3A_30 = vector.broadcast %broadcast_in_dim3A_29 : vector<512x1xi32> to vector<512x128xi32>
    %add3A_31 = arith.addi %broadcast_in_dim3A_30, %iota3A : vector<512x128xi32>
    %slice3A_32 = vector.extract_strided_slice %mul3A_6 {offsets = [0, 7], sizes = [512, 1], strides = [1, 1]} : vector<512x16xi32> to vector<512x1xi32>
    %broadcast_in_dim3A_33 = vector.shape_cast %slice3A_32 : vector<512x1xi32> to vector<512x1xi32>
    %broadcast_in_dim3A_34 = vector.broadcast %broadcast_in_dim3A_33 : vector<512x1xi32> to vector<512x128xi32>
    %add3A_35 = arith.addi %broadcast_in_dim3A_34, %iota3A : vector<512x128xi32>
    %slice3A_36 = vector.extract_strided_slice %mul3A_6 {offsets = [0, 8], sizes = [512, 1], strides = [1, 1]} : vector<512x16xi32> to vector<512x1xi32>
    %broadcast_in_dim3A_37 = vector.shape_cast %slice3A_36 : vector<512x1xi32> to vector<512x1xi32>
    %broadcast_in_dim3A_38 = vector.broadcast %broadcast_in_dim3A_37 : vector<512x1xi32> to vector<512x128xi32>
    %add3A_39 = arith.addi %broadcast_in_dim3A_38, %iota3A : vector<512x128xi32>
    %slice3A_40 = vector.extract_strided_slice %mul3A_6 {offsets = [0, 9], sizes = [512, 1], strides = [1, 1]} : vector<512x16xi32> to vector<512x1xi32>
    %broadcast_in_dim3A_41 = vector.shape_cast %slice3A_40 : vector<512x1xi32> to vector<512x1xi32>
    %broadcast_in_dim3A_42 = vector.broadcast %broadcast_in_dim3A_41 : vector<512x1xi32> to vector<512x128xi32>
    %add3A_43 = arith.addi %broadcast_in_dim3A_42, %iota3A : vector<512x128xi32>
    %slice3A_44 = vector.extract_strided_slice %mul3A_6 {offsets = [0, 10], sizes = [512, 1], strides = [1, 1]} : vector<512x16xi32> to vector<512x1xi32>
    %broadcast_in_dim3A_45 = vector.shape_cast %slice3A_44 : vector<512x1xi32> to vector<512x1xi32>
    %broadcast_in_dim3A_46 = vector.broadcast %broadcast_in_dim3A_45 : vector<512x1xi32> to vector<512x128xi32>
    %add3A_47 = arith.addi %broadcast_in_dim3A_46, %iota3A : vector<512x128xi32>
    %slice3A_48 = vector.extract_strided_slice %mul3A_6 {offsets = [0, 11], sizes = [512, 1], strides = [1, 1]} : vector<512x16xi32> to vector<512x1xi32>
    %broadcast_in_dim3A_49 = vector.shape_cast %slice3A_48 : vector<512x1xi32> to vector<512x1xi32>
    %broadcast_in_dim3A_50 = vector.broadcast %broadcast_in_dim3A_49 : vector<512x1xi32> to vector<512x128xi32>
    %add3A_51 = arith.addi %broadcast_in_dim3A_50, %iota3A : vector<512x128xi32>
    %slice3A_52 = vector.extract_strided_slice %mul3A_6 {offsets = [0, 12], sizes = [512, 1], strides = [1, 1]} : vector<512x16xi32> to vector<512x1xi32>
    %broadcast_in_dim3A_53 = vector.shape_cast %slice3A_52 : vector<512x1xi32> to vector<512x1xi32>
    %broadcast_in_dim3A_54 = vector.broadcast %broadcast_in_dim3A_53 : vector<512x1xi32> to vector<512x128xi32>
    %add3A_55 = arith.addi %broadcast_in_dim3A_54, %iota3A : vector<512x128xi32>
    %slice3A_56 = vector.extract_strided_slice %mul3A_6 {offsets = [0, 13], sizes = [512, 1], strides = [1, 1]} : vector<512x16xi32> to vector<512x1xi32>
    %broadcast_in_dim3A_57 = vector.shape_cast %slice3A_56 : vector<512x1xi32> to vector<512x1xi32>
    %broadcast_in_dim3A_58 = vector.broadcast %broadcast_in_dim3A_57 : vector<512x1xi32> to vector<512x128xi32>
    %add3A_59 = arith.addi %broadcast_in_dim3A_58, %iota3A : vector<512x128xi32>
    %slice3A_60 = vector.extract_strided_slice %mul3A_6 {offsets = [0, 14], sizes = [512, 1], strides = [1, 1]} : vector<512x16xi32> to vector<512x1xi32>
    %broadcast_in_dim3A_61 = vector.shape_cast %slice3A_60 : vector<512x1xi32> to vector<512x1xi32>
    %broadcast_in_dim3A_62 = vector.broadcast %broadcast_in_dim3A_61 : vector<512x1xi32> to vector<512x128xi32>
    %add3A_63 = arith.addi %broadcast_in_dim3A_62, %iota3A : vector<512x128xi32>
    %slice3A_64 = vector.extract_strided_slice %mul3A_6 {offsets = [0, 15], sizes = [512, 1], strides = [1, 1]} : vector<512x16xi32> to vector<512x1xi32>
    %broadcast_in_dim3A_65 = vector.shape_cast %slice3A_64 : vector<512x1xi32> to vector<512x1xi32>
    %broadcast_in_dim3A_66 = vector.broadcast %broadcast_in_dim3A_65 : vector<512x1xi32> to vector<512x128xi32>
    %add3A_67 = arith.addi %broadcast_in_dim3A_66, %iota3A : vector<512x128xi32>
    %concatenate3A = tpu.concatenate %add3A, %add3A_11, %add3A_15, %add3A_19, %add3A_23, %add3A_27, %add3A_31, %add3A_35, %add3A_39, %add3A_43, %add3A_47, %add3A_51, %add3A_55, %add3A_59, %add3A_63, %add3A_67 in 1 : vector<512x128xi32>, vector<512x128xi32>, vector<512x128xi32>, vector<512x128xi32>, vector<512x128xi32>, vector<512x128xi32>, vector<512x128xi32>, vector<512x128xi32>, vector<512x128xi32>, vector<512x128xi32>, vector<512x128xi32>, vector<512x128xi32>, vector<512x128xi32>, vector<512x128xi32>, vector<512x128xi32>, vector<512x128xi32> -> vector<512x2048xi32>
    %reduce_max3A = arith.constant dense<0xFF800000> : vector<512xf32>
    %reduce_max3A_68 = vector.multi_reduction <maximumf>, %get3A_1, %reduce_max3A [1] : vector<512x2048xf32> to vector<512xf32>
    %broadcast_in_dim3A_69 = vector.shape_cast %reduce_max3A_68 : vector<512xf32> to vector<512x1xf32>
    %eq3A = vector.broadcast %broadcast_in_dim3A_69 : vector<512x1xf32> to vector<512x2048xf32>
    %eq3A_70 = arith.cmpf oeq, %get3A_1, %eq3A : vector<512x2048xf32>
    %jit3A = arith.constant 1073741824 : i32
    %broadcast_in_dim3A_71 = vector.broadcast %jit3A : i32 to vector<512x2048xi32>
    %select_n3A = arith.select %eq3A_70, %concatenate3A, %broadcast_in_dim3A_71 : vector<512x2048xi1>, vector<512x2048xi32>
    %reduce_min3A = arith.constant dense<2147483647> : vector<512xi32>
    %reduce_min3A_72 = vector.multi_reduction <minsi>, %select_n3A, %reduce_min3A [1] : vector<512x2048xi32> to vector<512xi32>
    %broadcast_in_dim3A_73 = vector.shape_cast %reduce_min3A_72 : vector<512xi32> to vector<512x1xi32>
    %eq3A_74 = vector.broadcast %broadcast_in_dim3A_73 : vector<512x1xi32> to vector<512x2048xi32>
    %eq3A_75 = arith.cmpi eq, %concatenate3A, %eq3A_74 : vector<512x2048xi32>
    %jit3A_76 = arith.constant 0xFF800000 : f32
    %broadcast_in_dim3A_77 = vector.broadcast %jit3A_76 : f32 to vector<512x2048xf32>
    %select_n3A_78 = arith.select %eq3A_75, %broadcast_in_dim3A_77, %get3A_1 : vector<512x2048xi1>, vector<512x2048xf32>
    %reduce_max3A_79 = arith.constant dense<0xFF800000> : vector<512xf32>
    %reduce_max3A_80 = vector.multi_reduction <maximumf>, %select_n3A_78, %reduce_max3A_79 [1] : vector<512x2048xf32> to vector<512xf32>
    %broadcast_in_dim3A_81 = vector.shape_cast %reduce_max3A_80 : vector<512xf32> to vector<512x1xf32>
    %eq3A_82 = vector.broadcast %broadcast_in_dim3A_81 : vector<512x1xf32> to vector<512x2048xf32>
    %eq3A_83 = arith.cmpf oeq, %select_n3A_78, %eq3A_82 : vector<512x2048xf32>
    %jit3A_84 = arith.constant 1073741824 : i32
    %broadcast_in_dim3A_85 = vector.broadcast %jit3A_84 : i32 to vector<512x2048xi32>
    %select_n3A_86 = arith.select %eq3A_83, %concatenate3A, %broadcast_in_dim3A_85 : vector<512x2048xi1>, vector<512x2048xi32>
    %reduce_min3A_87 = arith.constant dense<2147483647> : vector<512xi32>
    %reduce_min3A_88 = vector.multi_reduction <minsi>, %select_n3A_86, %reduce_min3A_87 [1] : vector<512x2048xi32> to vector<512xi32>
    %broadcast_in_dim3A_89 = vector.shape_cast %reduce_min3A_88 : vector<512xi32> to vector<512x1xi32>
    %eq3A_90 = vector.broadcast %broadcast_in_dim3A_89 : vector<512x1xi32> to vector<512x2048xi32>
    %eq3A_91 = arith.cmpi eq, %concatenate3A, %eq3A_90 : vector<512x2048xi32>
    %jit3A_92 = arith.constant 0xFF800000 : f32
    %broadcast_in_dim3A_93 = vector.broadcast %jit3A_92 : f32 to vector<512x2048xf32>
    %select_n3A_94 = arith.select %eq3A_91, %broadcast_in_dim3A_93, %select_n3A_78 : vector<512x2048xi1>, vector<512x2048xf32>
    %reduce_max3A_95 = arith.constant dense<0xFF800000> : vector<512xf32>
    %reduce_max3A_96 = vector.multi_reduction <maximumf>, %select_n3A_94, %reduce_max3A_95 [1] : vector<512x2048xf32> to vector<512xf32>
    %broadcast_in_dim3A_97 = vector.shape_cast %reduce_max3A_96 : vector<512xf32> to vector<512x1xf32>
    %eq3A_98 = vector.broadcast %broadcast_in_dim3A_97 : vector<512x1xf32> to vector<512x2048xf32>
    %eq3A_99 = arith.cmpf oeq, %select_n3A_94, %eq3A_98 : vector<512x2048xf32>
    %jit3A_100 = arith.constant 1073741824 : i32
    %broadcast_in_dim3A_101 = vector.broadcast %jit3A_100 : i32 to vector<512x2048xi32>
    %select_n3A_102 = arith.select %eq3A_99, %concatenate3A, %broadcast_in_dim3A_101 : vector<512x2048xi1>, vector<512x2048xi32>
    %reduce_min3A_103 = arith.constant dense<2147483647> : vector<512xi32>
    %reduce_min3A_104 = vector.multi_reduction <minsi>, %select_n3A_102, %reduce_min3A_103 [1] : vector<512x2048xi32> to vector<512xi32>
    %broadcast_in_dim3A_105 = vector.shape_cast %reduce_min3A_104 : vector<512xi32> to vector<512x1xi32>
    %eq3A_106 = vector.broadcast %broadcast_in_dim3A_105 : vector<512x1xi32> to vector<512x2048xi32>
    %eq3A_107 = arith.cmpi eq, %concatenate3A, %eq3A_106 : vector<512x2048xi32>
    %jit3A_108 = arith.constant 0xFF800000 : f32
    %broadcast_in_dim3A_109 = vector.broadcast %jit3A_108 : f32 to vector<512x2048xf32>
    %select_n3A_110 = arith.select %eq3A_107, %broadcast_in_dim3A_109, %select_n3A_94 : vector<512x2048xi1>, vector<512x2048xf32>
    %reduce_max3A_111 = arith.constant dense<0xFF800000> : vector<512xf32>
    %reduce_max3A_112 = vector.multi_reduction <maximumf>, %select_n3A_110, %reduce_max3A_111 [1] : vector<512x2048xf32> to vector<512xf32>
    %broadcast_in_dim3A_113 = vector.shape_cast %reduce_max3A_112 : vector<512xf32> to vector<512x1xf32>
    %eq3A_114 = vector.broadcast %broadcast_in_dim3A_113 : vector<512x1xf32> to vector<512x2048xf32>
    %eq3A_115 = arith.cmpf oeq, %select_n3A_110, %eq3A_114 : vector<512x2048xf32>
    %jit3A_116 = arith.constant 1073741824 : i32
    %broadcast_in_dim3A_117 = vector.broadcast %jit3A_116 : i32 to vector<512x2048xi32>
    %select_n3A_118 = arith.select %eq3A_115, %concatenate3A, %broadcast_in_dim3A_117 : vector<512x2048xi1>, vector<512x2048xi32>
    %reduce_min3A_119 = arith.constant dense<2147483647> : vector<512xi32>
    %reduce_min3A_120 = vector.multi_reduction <minsi>, %select_n3A_118, %reduce_min3A_119 [1] : vector<512x2048xi32> to vector<512xi32>
    %broadcast_in_dim3A_121 = vector.shape_cast %reduce_min3A_120 : vector<512xi32> to vector<512x1xi32>
    %eq3A_122 = vector.broadcast %broadcast_in_dim3A_121 : vector<512x1xi32> to vector<512x2048xi32>
    %eq3A_123 = arith.cmpi eq, %concatenate3A, %eq3A_122 : vector<512x2048xi32>
    %jit3A_124 = arith.constant 0xFF800000 : f32
    %broadcast_in_dim3A_125 = vector.broadcast %jit3A_124 : f32 to vector<512x2048xf32>
    %select_n3A_126 = arith.select %eq3A_123, %broadcast_in_dim3A_125, %select_n3A_110 : vector<512x2048xi1>, vector<512x2048xf32>
    %reduce_max3A_127 = arith.constant dense<0xFF800000> : vector<512xf32>
    %reduce_max3A_128 = vector.multi_reduction <maximumf>, %select_n3A_126, %reduce_max3A_127 [1] : vector<512x2048xf32> to vector<512xf32>
    %broadcast_in_dim3A_129 = vector.shape_cast %reduce_max3A_128 : vector<512xf32> to vector<512x1xf32>
    %eq3A_130 = vector.broadcast %broadcast_in_dim3A_129 : vector<512x1xf32> to vector<512x2048xf32>
    %eq3A_131 = arith.cmpf oeq, %select_n3A_126, %eq3A_130 : vector<512x2048xf32>
    %jit3A_132 = arith.constant 1073741824 : i32
    %broadcast_in_dim3A_133 = vector.broadcast %jit3A_132 : i32 to vector<512x2048xi32>
    %select_n3A_134 = arith.select %eq3A_131, %concatenate3A, %broadcast_in_dim3A_133 : vector<512x2048xi1>, vector<512x2048xi32>
    %reduce_min3A_135 = arith.constant dense<2147483647> : vector<512xi32>
    %reduce_min3A_136 = vector.multi_reduction <minsi>, %select_n3A_134, %reduce_min3A_135 [1] : vector<512x2048xi32> to vector<512xi32>
    %broadcast_in_dim3A_137 = vector.shape_cast %reduce_min3A_136 : vector<512xi32> to vector<512x1xi32>
    %eq3A_138 = vector.broadcast %broadcast_in_dim3A_137 : vector<512x1xi32> to vector<512x2048xi32>
    %eq3A_139 = arith.cmpi eq, %concatenate3A, %eq3A_138 : vector<512x2048xi32>
    %jit3A_140 = arith.constant 0xFF800000 : f32
    %broadcast_in_dim3A_141 = vector.broadcast %jit3A_140 : f32 to vector<512x2048xf32>
    %select_n3A_142 = arith.select %eq3A_139, %broadcast_in_dim3A_141, %select_n3A_126 : vector<512x2048xi1>, vector<512x2048xf32>
    %reduce_max3A_143 = arith.constant dense<0xFF800000> : vector<512xf32>
    %reduce_max3A_144 = vector.multi_reduction <maximumf>, %select_n3A_142, %reduce_max3A_143 [1] : vector<512x2048xf32> to vector<512xf32>
    %broadcast_in_dim3A_145 = vector.shape_cast %reduce_max3A_144 : vector<512xf32> to vector<512x1xf32>
    %eq3A_146 = vector.broadcast %broadcast_in_dim3A_145 : vector<512x1xf32> to vector<512x2048xf32>
    %eq3A_147 = arith.cmpf oeq, %select_n3A_142, %eq3A_146 : vector<512x2048xf32>
    %jit3A_148 = arith.constant 1073741824 : i32
    %broadcast_in_dim3A_149 = vector.broadcast %jit3A_148 : i32 to vector<512x2048xi32>
    %select_n3A_150 = arith.select %eq3A_147, %concatenate3A, %broadcast_in_dim3A_149 : vector<512x2048xi1>, vector<512x2048xi32>
    %reduce_min3A_151 = arith.constant dense<2147483647> : vector<512xi32>
    %reduce_min3A_152 = vector.multi_reduction <minsi>, %select_n3A_150, %reduce_min3A_151 [1] : vector<512x2048xi32> to vector<512xi32>
    %broadcast_in_dim3A_153 = vector.shape_cast %reduce_min3A_152 : vector<512xi32> to vector<512x1xi32>
    %eq3A_154 = vector.broadcast %broadcast_in_dim3A_153 : vector<512x1xi32> to vector<512x2048xi32>
    %eq3A_155 = arith.cmpi eq, %concatenate3A, %eq3A_154 : vector<512x2048xi32>
    %jit3A_156 = arith.constant 0xFF800000 : f32
    %broadcast_in_dim3A_157 = vector.broadcast %jit3A_156 : f32 to vector<512x2048xf32>
    %select_n3A_158 = arith.select %eq3A_155, %broadcast_in_dim3A_157, %select_n3A_142 : vector<512x2048xi1>, vector<512x2048xf32>
    %reduce_max3A_159 = arith.constant dense<0xFF800000> : vector<512xf32>
    %reduce_max3A_160 = vector.multi_reduction <maximumf>, %select_n3A_158, %reduce_max3A_159 [1] : vector<512x2048xf32> to vector<512xf32>
    %broadcast_in_dim3A_161 = vector.shape_cast %reduce_max3A_160 : vector<512xf32> to vector<512x1xf32>
    %eq3A_162 = vector.broadcast %broadcast_in_dim3A_161 : vector<512x1xf32> to vector<512x2048xf32>
    %eq3A_163 = arith.cmpf oeq, %select_n3A_158, %eq3A_162 : vector<512x2048xf32>
    %jit3A_164 = arith.constant 1073741824 : i32
    %broadcast_in_dim3A_165 = vector.broadcast %jit3A_164 : i32 to vector<512x2048xi32>
    %select_n3A_166 = arith.select %eq3A_163, %concatenate3A, %broadcast_in_dim3A_165 : vector<512x2048xi1>, vector<512x2048xi32>
    %reduce_min3A_167 = arith.constant dense<2147483647> : vector<512xi32>
    %reduce_min3A_168 = vector.multi_reduction <minsi>, %select_n3A_166, %reduce_min3A_167 [1] : vector<512x2048xi32> to vector<512xi32>
    %broadcast_in_dim3A_169 = vector.shape_cast %reduce_min3A_168 : vector<512xi32> to vector<512x1xi32>
    %eq3A_170 = vector.broadcast %broadcast_in_dim3A_169 : vector<512x1xi32> to vector<512x2048xi32>
    %eq3A_171 = arith.cmpi eq, %concatenate3A, %eq3A_170 : vector<512x2048xi32>
    %jit3A_172 = arith.constant 0xFF800000 : f32
    %broadcast_in_dim3A_173 = vector.broadcast %jit3A_172 : f32 to vector<512x2048xf32>
    %select_n3A_174 = arith.select %eq3A_171, %broadcast_in_dim3A_173, %select_n3A_158 : vector<512x2048xi1>, vector<512x2048xf32>
    %reduce_max3A_175 = arith.constant dense<0xFF800000> : vector<512xf32>
    %reduce_max3A_176 = vector.multi_reduction <maximumf>, %select_n3A_174, %reduce_max3A_175 [1] : vector<512x2048xf32> to vector<512xf32>
    %broadcast_in_dim3A_177 = vector.shape_cast %reduce_max3A_176 : vector<512xf32> to vector<512x1xf32>
    %eq3A_178 = vector.broadcast %broadcast_in_dim3A_177 : vector<512x1xf32> to vector<512x2048xf32>
    %eq3A_179 = arith.cmpf oeq, %select_n3A_174, %eq3A_178 : vector<512x2048xf32>
    %jit3A_180 = arith.constant 1073741824 : i32
    %broadcast_in_dim3A_181 = vector.broadcast %jit3A_180 : i32 to vector<512x2048xi32>
    %select_n3A_182 = arith.select %eq3A_179, %concatenate3A, %broadcast_in_dim3A_181 : vector<512x2048xi1>, vector<512x2048xi32>
    %reduce_min3A_183 = arith.constant dense<2147483647> : vector<512xi32>
    %reduce_min3A_184 = vector.multi_reduction <minsi>, %select_n3A_182, %reduce_min3A_183 [1] : vector<512x2048xi32> to vector<512xi32>
    %broadcast_in_dim3A_185 = vector.shape_cast %reduce_min3A_184 : vector<512xi32> to vector<512x1xi32>
    %eq3A_186 = vector.broadcast %broadcast_in_dim3A_185 : vector<512x1xi32> to vector<512x2048xi32>
    %eq3A_187 = arith.cmpi eq, %concatenate3A, %eq3A_186 : vector<512x2048xi32>
    %jit3A_188 = arith.constant 0xFF800000 : f32
    %broadcast_in_dim3A_189 = vector.broadcast %jit3A_188 : f32 to vector<512x2048xf32>
    %select_n3A_190 = arith.select %eq3A_187, %broadcast_in_dim3A_189, %select_n3A_174 : vector<512x2048xi1>, vector<512x2048xf32>
    %reduce_max3A_191 = arith.constant dense<0xFF800000> : vector<512xf32>
    %reduce_max3A_192 = vector.multi_reduction <maximumf>, %select_n3A_190, %reduce_max3A_191 [1] : vector<512x2048xf32> to vector<512xf32>
    %broadcast_in_dim3A_193 = vector.shape_cast %reduce_max3A_192 : vector<512xf32> to vector<512x1xf32>
    %eq3A_194 = vector.broadcast %broadcast_in_dim3A_193 : vector<512x1xf32> to vector<512x2048xf32>
    %eq3A_195 = arith.cmpf oeq, %select_n3A_190, %eq3A_194 : vector<512x2048xf32>
    %jit3A_196 = arith.constant 1073741824 : i32
    %broadcast_in_dim3A_197 = vector.broadcast %jit3A_196 : i32 to vector<512x2048xi32>
    %select_n3A_198 = arith.select %eq3A_195, %concatenate3A, %broadcast_in_dim3A_197 : vector<512x2048xi1>, vector<512x2048xi32>
    %reduce_min3A_199 = arith.constant dense<2147483647> : vector<512xi32>
    %reduce_min3A_200 = vector.multi_reduction <minsi>, %select_n3A_198, %reduce_min3A_199 [1] : vector<512x2048xi32> to vector<512xi32>
    %broadcast_in_dim3A_201 = vector.shape_cast %reduce_min3A_200 : vector<512xi32> to vector<512x1xi32>
    %eq3A_202 = vector.broadcast %broadcast_in_dim3A_201 : vector<512x1xi32> to vector<512x2048xi32>
    %eq3A_203 = arith.cmpi eq, %concatenate3A, %eq3A_202 : vector<512x2048xi32>
    %jit3A_204 = arith.constant 0xFF800000 : f32
    %broadcast_in_dim3A_205 = vector.broadcast %jit3A_204 : f32 to vector<512x2048xf32>
    %select_n3A_206 = arith.select %eq3A_203, %broadcast_in_dim3A_205, %select_n3A_190 : vector<512x2048xi1>, vector<512x2048xf32>
    %reduce_max3A_207 = arith.constant dense<0xFF800000> : vector<512xf32>
    %reduce_max3A_208 = vector.multi_reduction <maximumf>, %select_n3A_206, %reduce_max3A_207 [1] : vector<512x2048xf32> to vector<512xf32>
    %broadcast_in_dim3A_209 = vector.shape_cast %reduce_max3A_208 : vector<512xf32> to vector<512x1xf32>
    %eq3A_210 = vector.broadcast %broadcast_in_dim3A_209 : vector<512x1xf32> to vector<512x2048xf32>
    %eq3A_211 = arith.cmpf oeq, %select_n3A_206, %eq3A_210 : vector<512x2048xf32>
    %jit3A_212 = arith.constant 1073741824 : i32
    %broadcast_in_dim3A_213 = vector.broadcast %jit3A_212 : i32 to vector<512x2048xi32>
    %select_n3A_214 = arith.select %eq3A_211, %concatenate3A, %broadcast_in_dim3A_213 : vector<512x2048xi1>, vector<512x2048xi32>
    %reduce_min3A_215 = arith.constant dense<2147483647> : vector<512xi32>
    %reduce_min3A_216 = vector.multi_reduction <minsi>, %select_n3A_214, %reduce_min3A_215 [1] : vector<512x2048xi32> to vector<512xi32>
    %broadcast_in_dim3A_217 = vector.shape_cast %reduce_min3A_216 : vector<512xi32> to vector<512x1xi32>
    %eq3A_218 = vector.broadcast %broadcast_in_dim3A_217 : vector<512x1xi32> to vector<512x2048xi32>
    %eq3A_219 = arith.cmpi eq, %concatenate3A, %eq3A_218 : vector<512x2048xi32>
    %jit3A_220 = arith.constant 0xFF800000 : f32
    %broadcast_in_dim3A_221 = vector.broadcast %jit3A_220 : f32 to vector<512x2048xf32>
    %select_n3A_222 = arith.select %eq3A_219, %broadcast_in_dim3A_221, %select_n3A_206 : vector<512x2048xi1>, vector<512x2048xf32>
    %reduce_max3A_223 = arith.constant dense<0xFF800000> : vector<512xf32>
    %reduce_max3A_224 = vector.multi_reduction <maximumf>, %select_n3A_222, %reduce_max3A_223 [1] : vector<512x2048xf32> to vector<512xf32>
    %broadcast_in_dim3A_225 = vector.shape_cast %reduce_max3A_224 : vector<512xf32> to vector<512x1xf32>
    %eq3A_226 = vector.broadcast %broadcast_in_dim3A_225 : vector<512x1xf32> to vector<512x2048xf32>
    %eq3A_227 = arith.cmpf oeq, %select_n3A_222, %eq3A_226 : vector<512x2048xf32>
    %jit3A_228 = arith.constant 1073741824 : i32
    %broadcast_in_dim3A_229 = vector.broadcast %jit3A_228 : i32 to vector<512x2048xi32>
    %select_n3A_230 = arith.select %eq3A_227, %concatenate3A, %broadcast_in_dim3A_229 : vector<512x2048xi1>, vector<512x2048xi32>
    %reduce_min3A_231 = arith.constant dense<2147483647> : vector<512xi32>
    %reduce_min3A_232 = vector.multi_reduction <minsi>, %select_n3A_230, %reduce_min3A_231 [1] : vector<512x2048xi32> to vector<512xi32>
    %broadcast_in_dim3A_233 = vector.shape_cast %reduce_min3A_232 : vector<512xi32> to vector<512x1xi32>
    %eq3A_234 = vector.broadcast %broadcast_in_dim3A_233 : vector<512x1xi32> to vector<512x2048xi32>
    %eq3A_235 = arith.cmpi eq, %concatenate3A, %eq3A_234 : vector<512x2048xi32>
    %jit3A_236 = arith.constant 0xFF800000 : f32
    %broadcast_in_dim3A_237 = vector.broadcast %jit3A_236 : f32 to vector<512x2048xf32>
    %select_n3A_238 = arith.select %eq3A_235, %broadcast_in_dim3A_237, %select_n3A_222 : vector<512x2048xi1>, vector<512x2048xf32>
    %reduce_max3A_239 = arith.constant dense<0xFF800000> : vector<512xf32>
    %reduce_max3A_240 = vector.multi_reduction <maximumf>, %select_n3A_238, %reduce_max3A_239 [1] : vector<512x2048xf32> to vector<512xf32>
    %broadcast_in_dim3A_241 = vector.shape_cast %reduce_max3A_240 : vector<512xf32> to vector<512x1xf32>
    %eq3A_242 = vector.broadcast %broadcast_in_dim3A_241 : vector<512x1xf32> to vector<512x2048xf32>
    %eq3A_243 = arith.cmpf oeq, %select_n3A_238, %eq3A_242 : vector<512x2048xf32>
    %jit3A_244 = arith.constant 1073741824 : i32
    %broadcast_in_dim3A_245 = vector.broadcast %jit3A_244 : i32 to vector<512x2048xi32>
    %select_n3A_246 = arith.select %eq3A_243, %concatenate3A, %broadcast_in_dim3A_245 : vector<512x2048xi1>, vector<512x2048xi32>
    %reduce_min3A_247 = arith.constant dense<2147483647> : vector<512xi32>
    %reduce_min3A_248 = vector.multi_reduction <minsi>, %select_n3A_246, %reduce_min3A_247 [1] : vector<512x2048xi32> to vector<512xi32>
    %broadcast_in_dim3A_249 = vector.shape_cast %reduce_min3A_248 : vector<512xi32> to vector<512x1xi32>
    %eq3A_250 = vector.broadcast %broadcast_in_dim3A_249 : vector<512x1xi32> to vector<512x2048xi32>
    %eq3A_251 = arith.cmpi eq, %concatenate3A, %eq3A_250 : vector<512x2048xi32>
    %jit3A_252 = arith.constant 0xFF800000 : f32
    %broadcast_in_dim3A_253 = vector.broadcast %jit3A_252 : f32 to vector<512x2048xf32>
    %select_n3A_254 = arith.select %eq3A_251, %broadcast_in_dim3A_253, %select_n3A_238 : vector<512x2048xi1>, vector<512x2048xf32>
    %reduce_max3A_255 = arith.constant dense<0xFF800000> : vector<512xf32>
    %reduce_max3A_256 = vector.multi_reduction <maximumf>, %select_n3A_254, %reduce_max3A_255 [1] : vector<512x2048xf32> to vector<512xf32>
    %broadcast_in_dim3A_257 = vector.shape_cast %reduce_max3A_256 : vector<512xf32> to vector<512x1xf32>
    %eq3A_258 = vector.broadcast %broadcast_in_dim3A_257 : vector<512x1xf32> to vector<512x2048xf32>
    %eq3A_259 = arith.cmpf oeq, %select_n3A_254, %eq3A_258 : vector<512x2048xf32>
    %jit3A_260 = arith.constant 1073741824 : i32
    %broadcast_in_dim3A_261 = vector.broadcast %jit3A_260 : i32 to vector<512x2048xi32>
    %select_n3A_262 = arith.select %eq3A_259, %concatenate3A, %broadcast_in_dim3A_261 : vector<512x2048xi1>, vector<512x2048xi32>
    %reduce_min3A_263 = arith.constant dense<2147483647> : vector<512xi32>
    %reduce_min3A_264 = vector.multi_reduction <minsi>, %select_n3A_262, %reduce_min3A_263 [1] : vector<512x2048xi32> to vector<512xi32>
    %broadcast_in_dim3A_265 = vector.shape_cast %reduce_min3A_264 : vector<512xi32> to vector<512x1xi32>
    %eq3A_266 = vector.broadcast %broadcast_in_dim3A_265 : vector<512x1xi32> to vector<512x2048xi32>
    %eq3A_267 = arith.cmpi eq, %concatenate3A, %eq3A_266 : vector<512x2048xi32>
    %jit3A_268 = arith.constant 0xFF800000 : f32
    %broadcast_in_dim3A_269 = vector.broadcast %jit3A_268 : f32 to vector<512x2048xf32>
    %select_n3A_270 = arith.select %eq3A_267, %broadcast_in_dim3A_269, %select_n3A_254 : vector<512x2048xi1>, vector<512x2048xf32>
    %reduce_max3A_271 = arith.constant dense<0xFF800000> : vector<512xf32>
    %reduce_max3A_272 = vector.multi_reduction <maximumf>, %select_n3A_270, %reduce_max3A_271 [1] : vector<512x2048xf32> to vector<512xf32>
    %broadcast_in_dim3A_273 = vector.shape_cast %reduce_max3A_272 : vector<512xf32> to vector<512x1xf32>
    %eq3A_274 = vector.broadcast %broadcast_in_dim3A_273 : vector<512x1xf32> to vector<512x2048xf32>
    %eq3A_275 = arith.cmpf oeq, %select_n3A_270, %eq3A_274 : vector<512x2048xf32>
    %jit3A_276 = arith.constant 1073741824 : i32
    %broadcast_in_dim3A_277 = vector.broadcast %jit3A_276 : i32 to vector<512x2048xi32>
    %select_n3A_278 = arith.select %eq3A_275, %concatenate3A, %broadcast_in_dim3A_277 : vector<512x2048xi1>, vector<512x2048xi32>
    %reduce_min3A_279 = arith.constant dense<2147483647> : vector<512xi32>
    %reduce_min3A_280 = vector.multi_reduction <minsi>, %select_n3A_278, %reduce_min3A_279 [1] : vector<512x2048xi32> to vector<512xi32>
    %broadcast_in_dim3A_281 = vector.shape_cast %reduce_min3A_280 : vector<512xi32> to vector<512x1xi32>
    %eq3A_282 = vector.broadcast %broadcast_in_dim3A_281 : vector<512x1xi32> to vector<512x2048xi32>
    %eq3A_283 = arith.cmpi eq, %concatenate3A, %eq3A_282 : vector<512x2048xi32>
    %jit3A_284 = arith.constant 0xFF800000 : f32
    %broadcast_in_dim3A_285 = vector.broadcast %jit3A_284 : f32 to vector<512x2048xf32>
    %select_n3A_286 = arith.select %eq3A_283, %broadcast_in_dim3A_285, %select_n3A_270 : vector<512x2048xi1>, vector<512x2048xf32>
    %reduce_max3A_287 = arith.constant dense<0xFF800000> : vector<512xf32>
    %reduce_max3A_288 = vector.multi_reduction <maximumf>, %select_n3A_286, %reduce_max3A_287 [1] : vector<512x2048xf32> to vector<512xf32>
    %broadcast_in_dim3A_289 = vector.shape_cast %reduce_max3A_288 : vector<512xf32> to vector<512x1xf32>
    %eq3A_290 = vector.broadcast %broadcast_in_dim3A_289 : vector<512x1xf32> to vector<512x2048xf32>
    %eq3A_291 = arith.cmpf oeq, %select_n3A_286, %eq3A_290 : vector<512x2048xf32>
    %jit3A_292 = arith.constant 1073741824 : i32
    %broadcast_in_dim3A_293 = vector.broadcast %jit3A_292 : i32 to vector<512x2048xi32>
    %select_n3A_294 = arith.select %eq3A_291, %concatenate3A, %broadcast_in_dim3A_293 : vector<512x2048xi1>, vector<512x2048xi32>
    %reduce_min3A_295 = arith.constant dense<2147483647> : vector<512xi32>
    %reduce_min3A_296 = vector.multi_reduction <minsi>, %select_n3A_294, %reduce_min3A_295 [1] : vector<512x2048xi32> to vector<512xi32>
    %broadcast_in_dim3A_297 = vector.shape_cast %reduce_min3A_296 : vector<512xi32> to vector<512x1xi32>
    %eq3A_298 = vector.broadcast %broadcast_in_dim3A_297 : vector<512x1xi32> to vector<512x2048xi32>
    %eq3A_299 = arith.cmpi eq, %concatenate3A, %eq3A_298 : vector<512x2048xi32>
    %jit3A_300 = arith.constant 0xFF800000 : f32
    %broadcast_in_dim3A_301 = vector.broadcast %jit3A_300 : f32 to vector<512x2048xf32>
    %select_n3A_302 = arith.select %eq3A_299, %broadcast_in_dim3A_301, %select_n3A_286 : vector<512x2048xi1>, vector<512x2048xf32>
    %reduce_max3A_303 = arith.constant dense<0xFF800000> : vector<512xf32>
    %reduce_max3A_304 = vector.multi_reduction <maximumf>, %select_n3A_302, %reduce_max3A_303 [1] : vector<512x2048xf32> to vector<512xf32>
    %broadcast_in_dim3A_305 = vector.shape_cast %reduce_max3A_304 : vector<512xf32> to vector<512x1xf32>
    %eq3A_306 = vector.broadcast %broadcast_in_dim3A_305 : vector<512x1xf32> to vector<512x2048xf32>
    %eq3A_307 = arith.cmpf oeq, %select_n3A_302, %eq3A_306 : vector<512x2048xf32>
    %jit3A_308 = arith.constant 1073741824 : i32
    %broadcast_in_dim3A_309 = vector.broadcast %jit3A_308 : i32 to vector<512x2048xi32>
    %select_n3A_310 = arith.select %eq3A_307, %concatenate3A, %broadcast_in_dim3A_309 : vector<512x2048xi1>, vector<512x2048xi32>
    %reduce_min3A_311 = arith.constant dense<2147483647> : vector<512xi32>
    %reduce_min3A_312 = vector.multi_reduction <minsi>, %select_n3A_310, %reduce_min3A_311 [1] : vector<512x2048xi32> to vector<512xi32>
    %broadcast_in_dim3A_313 = vector.shape_cast %reduce_min3A_312 : vector<512xi32> to vector<512x1xi32>
    %concatenate3A_314 = tpu.concatenate %broadcast_in_dim3A_69, %broadcast_in_dim3A_81, %broadcast_in_dim3A_97, %broadcast_in_dim3A_113, %broadcast_in_dim3A_129, %broadcast_in_dim3A_145, %broadcast_in_dim3A_161, %broadcast_in_dim3A_177, %broadcast_in_dim3A_193, %broadcast_in_dim3A_209, %broadcast_in_dim3A_225, %broadcast_in_dim3A_241, %broadcast_in_dim3A_257, %broadcast_in_dim3A_273, %broadcast_in_dim3A_289, %broadcast_in_dim3A_305 in 1 : vector<512x1xf32>, vector<512x1xf32>, vector<512x1xf32>, vector<512x1xf32>, vector<512x1xf32>, vector<512x1xf32>, vector<512x1xf32>, vector<512x1xf32>, vector<512x1xf32>, vector<512x1xf32>, vector<512x1xf32>, vector<512x1xf32>, vector<512x1xf32>, vector<512x1xf32>, vector<512x1xf32>, vector<512x1xf32> -> vector<512x16xf32>
    %concatenate3A_315 = tpu.concatenate %broadcast_in_dim3A_73, %broadcast_in_dim3A_89, %broadcast_in_dim3A_105, %broadcast_in_dim3A_121, %broadcast_in_dim3A_137, %broadcast_in_dim3A_153, %broadcast_in_dim3A_169, %broadcast_in_dim3A_185, %broadcast_in_dim3A_201, %broadcast_in_dim3A_217, %broadcast_in_dim3A_233, %broadcast_in_dim3A_249, %broadcast_in_dim3A_265, %broadcast_in_dim3A_281, %broadcast_in_dim3A_297, %broadcast_in_dim3A_313 in 1 : vector<512x1xi32>, vector<512x1xi32>, vector<512x1xi32>, vector<512x1xi32>, vector<512x1xi32>, vector<512x1xi32>, vector<512x1xi32>, vector<512x1xi32>, vector<512x1xi32>, vector<512x1xi32>, vector<512x1xi32>, vector<512x1xi32>, vector<512x1xi32>, vector<512x1xi32>, vector<512x1xi32>, vector<512x1xi32> -> vector<512x16xi32>
    %mul3A_316 = arith.mulf %concatenate3A_314, %concatenate3A_314 : vector<512x16xf32>
    %reduce_sum3A = arith.constant dense<0.000000e+00> : vector<512xf32>
    %reduce_sum3A_317 = vector.multi_reduction <add>, %mul3A_316, %reduce_sum3A [1] : vector<512x16xf32> to vector<512xf32>
    %broadcast_in_dim3A_318 = vector.shape_cast %reduce_sum3A_317 : vector<512xf32> to vector<512x1xf32>
    %sqrt3A = math.sqrt %broadcast_in_dim3A_318 : vector<512x1xf32>
    %max3A = arith.constant 9.99999996E-13 : f32
    %max3A_319 = vector.broadcast %max3A : f32 to vector<512x1xf32>
    %max3A_320 = arith.maximumf %sqrt3A, %max3A_319 : vector<512x1xf32>
    %div3A = vector.broadcast %max3A_320 : vector<512x1xf32> to vector<512x16xf32>
    %div3A_321 = arith.divf %concatenate3A_314, %div3A : vector<512x16xf32>
    %reduce_max3A_322 = arith.constant dense<0xFF800000> : vector<512xf32>
    %reduce_max3A_323 = vector.multi_reduction <maximumf>, %div3A_321, %reduce_max3A_322 [1] : vector<512x16xf32> to vector<512xf32>
    %broadcast_in_dim3A_324 = vector.shape_cast %reduce_max3A_323 : vector<512xf32> to vector<512x1xf32>
    %sub3A = vector.broadcast %broadcast_in_dim3A_324 : vector<512x1xf32> to vector<512x16xf32>
    %sub3A_325 = arith.subf %div3A_321, %sub3A : vector<512x16xf32>
    %exp3A = math.exp %sub3A_325 : vector<512x16xf32>
    %swap3A = arith.constant 0 : index
    %swap3A_326 = arith.constant 0 : index
    %swap3A_327 = vector.load %arg3[%swap3A, %swap3A_326] : memref<512x16xi32, #tpu.memory_space<vmem>>, vector<512x16xi32>
    tpu.vector_store %arg3[%swap3A, %swap3A_326], %concatenate3A_315 {strides = array<i32>} : memref<512x16xi32, #tpu.memory_space<vmem>>, vector<512x16xi32>,
    %reduce_sum3A_328 = arith.constant dense<0.000000e+00> : vector<512xf32>
    %reduce_sum3A_329 = vector.multi_reduction <add>, %exp3A, %reduce_sum3A_328 [1] : vector<512x16xf32> to vector<512xf32>
    %broadcast_in_dim3A_330 = vector.shape_cast %reduce_sum3A_329 : vector<512xf32> to vector<512x1xf32>
    %div3A_331 = vector.broadcast %broadcast_in_dim3A_330 : vector<512x1xf32> to vector<512x16xf32>
    %div3A_332 = arith.divf %exp3A, %div3A_331 : vector<512x16xf32>
    %swap3A_333 = arith.constant 0 : index
    %swap3A_334 = arith.constant 0 : index
    %swap3A_335 = vector.load %arg4[%swap3A_333, %swap3A_334] : memref<512x16xf32, #tpu.memory_space<vmem>>, vector<512x16xf32>
    tpu.vector_store %arg4[%swap3A_333, %swap3A_334], %div3A_332 {strides = array<i32>} : memref<512x16xf32, #tpu.memory_space<vmem>>, vector<512x16xf32>,
    return
  }
  func.func @transform_0(%arg0: i32) -> (i32, i32) {
    %c0_i32 = arith.constant 0 : i32
    %c0_i32_0 = arith.constant 0 : i32
    return %arg0, %c0_i32 : i32, i32
  }
  func.func @transform_1(%arg0: i32) -> (i32, i32) {
    %c0_i32 = arith.constant 0 : i32
    %c0_i32_0 = arith.constant 0 : i32
    return %arg0, %c0_i32 : i32, i32
  }
  func.func @transform_2(%arg0: i32) -> (i32, i32) {
    %c0_i32 = arith.constant 0 : i32
    %c0_i32_0 = arith.constant 0 : i32
    return %arg0, %c0_i32 : i32, i32
  }
  func.func @transform_3(%arg0: i32) -> (i32, i32) {
    %c0_i32 = arith.constant 0 : i32
    %c0_i32_0 = arith.constant 0 : i32
    return %arg0, %c0_i32 : i32, i32
  }
}

</mosaic_0001>

<sc_bundles>
// kernel: kernel.5.cloned.1.call-start
scs
__scs_entry_jumppad:
0x0: {  	(pc) =	sbr.rel $0x88, $3  }
0x1: {  	(tag) =	ssettag $0x0;
	lr =	simm.s32 $0x1  }
0x2: {  	[smem:$0x3F9E] =	sst lr;
	_ =	strace $0xD0000000  }
0x3: {  	_ = 	snop  }
0x4: {  	_ = 	snop  }
0x5: {  	_ = 	snop  }
0x6: {  	_ = 	snop  }
0x7: {  	_ = 	snop  }
__scs_overlays_trampoline_lowered:
0x8: {  	[smem:$0x3FAD] =	sst s0  }
0x9: {  	[smem:$0x3FAE] =	sst s1  }
0xa: {  	[smem:$0x3FAF] =	sst s2  }
0xb: {  	[smem:$0x3FB0] =	sst s3  }
0xc: {  	[smem:$0x3FB1] =	sst s4  }
0xd: {  	[smem:$0x3FB2] =	sst s5  }
0xe: {  	[smem:$0x3FB3] =	sst s6  }
0xf: {  	[smem:$0x3FB4] =	sst s7  }
0x10: {  	[smem:$0x3FB5] =	sst s8  }
0x11: {  	[smem:$0x3FB6] =	sst s9;
	s0 =	simm.s32 @!p0 $0x0  }
0x12: {  	s1 =	sld [smem:$0x3F9C];
	s0 =	simm.s32 @p0 $0x1  }
0x13: {  	[smem:$0x3FB7] =	sst s0;
	s0 =	simm.s32 @!p1 $0x0  }
0x14: {  	s2 =	sld [smem:$0x3F9B];
	s0 =	simm.s32 @p1 $0x1  }
0x15: {  	[smem:$0x3FB8] =	sst s0;
	s0 =	simm.s32 @!p2 $0x0  }
0x16: {  	s3 =	sld [smem:$0x3FDB];
	s0 =	simm.s32 @p2 $0x1  }
0x17: {  	s4 =	simm.s32 $0x1BF5;
	[smem:$0x3FBA] =	sst s0  }
0x18: {  	s0 =	sld [smem:$0x3F9D];
	_ =	swait.ge [sflag:s4], $0x0  }
0x19: {  	s7 =	sld [smem:$0x3F9E]  }
0x1a: {  	s8 =	sadd.s32 $0xFFFFE003, lr  }
0x1b: {  	s9 =	sadd.s32 $0xFFFFFEF7, lr;
	s5 =	simm.s32 $0xFFFFFFFF;
	p2 =	slt.u32 s8, $0xFFFFF086  }
0x1c: {  	p1 =	slt.u32 s9, $0xF7A;
	s5 =	simm.s32 @!p2 $0x0  }
0x1d: {  	s5 =	simm.s32 @p1 $0x1;
	p0 =	seq.s32 s7, s2  }
0x1e: {  	s7 =	smul.u32 @!p0 $0xF7A, s2;
	p2 =	seq.s32 @!p0 s5, $0x0  }
0x1f: {  	s9 =	smul.u32 $0xF7A, s1;
	s8 =	simm.s32 @!p0 $0x1BF5;
	p2 =	por !p2, p0  }
0x20: {  	[sflag:s8] =	ssyncset.s32 @!p0 $0xFFFFF086;
	s6 =	sadd.s32 @!p0 s3, s7;
	s7 =	simm.s32 @!p0 $0x108  }
0x21: {  	s3 =	sadd.s32 s3, s9;
	s6 =	sadd.s32 @!p0 $0x88, s6;
	s7 =	simm.s32 @p2 $0x1082  }
0x22: {  	[simem:s7], [sflag:s8] =	dma.local @!p0 [hbm:s6], $0xF7A  }
0x23: {  	s9 =	sor.u32 $0xD0000000, s2;
	s6 =	simm.s32 $0x108;
	_ =	swait.ge @!p0 [sflag:s8], $0x0  }
0x24: {  	s3 =	sadd.s32 $0x88, s3;
	s6 =	simm.s32 @!p1 $0x1082;
	[sflag:s4] =	ssyncset.s32 $0xFFFFF086  }
0x25: {  	[simem:s6], [sflag:s4] =	dma.local [hbm:s3], $0xF7A  }
0x26: {  	[smem:$0x3F9E] =	sst s1;
	(tag) =	ssettag s2;
	_ =	strace s9  }
0x27: {  	s1 =	sld [smem:$0x3FAE]  }
0x28: {  	s2 =	sld [smem:$0x3FAF]  }
0x29: {  	s4 =	sld [smem:$0x3FB1]  }
0x2a: {  	p0 =	seq.s32 s5, $0x0;
	s5 =	sld [smem:$0x3FB2]  }
0x2b: {  	s6 =	sld [smem:$0x3FB3]  }
0x2c: {  	s7 =	sld [smem:$0x3FB4]  }
0x2d: {  	s3 =	simm.s32 $0x108;
	s8 =	sld [smem:$0x3FB5]  }
0x2e: {  	s3 =	simm.s32 @!p0 $0x1082;
	s9 =	sld [smem:$0x3FB6]  }
0x2f: {  	lr =	sadd.s32 s0, s3;
	s0 =	sld [smem:$0x3FAD]  }
0x30: {  	s3 =	sld [smem:$0x3FB0]  }
0x31: {  	[smem:$0x3FB9] =	sst s10  }
0x32: {  	s10 =	sld [smem:$0x3FB7];
	_ =	sdelay $0x3  }
0x33: {  	p0 =	seq.s32 s10, $0x1;
	s10 =	sld [smem:$0x3FB9];
	_ =	sdelay $0x3  }
0x34: {  	[smem:$0x3FB9] =	sst s10  }
0x35: {  	s10 =	sld [smem:$0x3FB8];
	_ =	sdelay $0x3  }
0x36: {  	p1 =	seq.s32 s10, $0x1;
	s10 =	sld [smem:$0x3FB9];
	_ =	sdelay $0x3  }
0x37: {  	[smem:$0x3FB9] =	sst s10  }
0x38: {  	s10 =	sld [smem:$0x3FBA]  }
0x39: {  	_ = 	snop;
	(pc) =	sbr.ind lr, $3  }
0x3a: {  	_ = 	snop  }
0x3b: {  	_ = 	snop  }
0x3c: {  	p2 =	seq.s32 s10, $0x1;
	s10 =	sld [smem:$0x3FB9]  }
0x3d: {  	_ =	shalt  }
0x3e: {  	_ =	shalt  }
0x3f: {  	_ =	shalt  }
0x40: {  	_ =	shalt  }
0x41: {  	_ =	shalt  }
0x42: {  	_ =	shalt  }
0x43: {  	_ =	shalt  }
0x44: {  	_ =	shalt  }
0x45: {  	_ =	shalt  }
0x46: {  	_ =	shalt  }
0x47: {  	_ =	shalt  }
0x48: {  	_ =	shalt  }
0x49: {  	_ =	shalt  }
0x4a: {  	_ =	shalt  }
0x4b: {  	_ =	shalt  }
0x4c: {  	_ =	shalt  }
0x4d: {  	_ =	shalt  }
0x4e: {  	_ =	shalt  }
0x4f: {  	_ =	shalt  }
0x50: {  	_ =	shalt  }
0x51: {  	_ =	shalt  }
0x52: {  	_ =	shalt  }
0x53: {  	_ =	shalt  }
0x54: {  	_ =	shalt  }
0x55: {  	_ =	shalt  }
0x56: {  	_ =	shalt  }
0x57: {  	_ =	shalt  }
0x58: {  	_ =	shalt  }
0x59: {  	_ =	shalt  }
0x5a: {  	_ =	shalt  }
0x5b: {  	_ =	shalt  }
0x5c: {  	_ =	shalt  }
0x5d: {  	_ =	shalt  }
0x5e: {  	_ =	shalt  }
0x5f: {  	_ =	shalt  }
0x60: {  	_ =	shalt  }
0x61: {  	_ =	shalt  }
0x62: {  	_ =	shalt  }
0x63: {  	_ =	shalt  }
0x64: {  	_ =	shalt  }
0x65: {  	_ =	shalt  }
0x66: {  	_ =	shalt  }
0x67: {  	_ =	shalt  }
0x68: {  	_ =	shalt  }
0x69: {  	_ =	shalt  }
0x6a: {  	_ =	shalt  }
0x6b: {  	_ =	shalt  }
0x6c: {  	_ =	shalt  }
0x6d: {  	_ =	shalt  }
0x6e: {  	_ =	shalt  }
0x6f: {  	_ =	shalt  }
0x70: {  	_ =	shalt  }
0x71: {  	_ =	shalt  }
0x72: {  	_ =	shalt  }
0x73: {  	_ =	shalt  }
0x74: {  	_ =	shalt  }
0x75: {  	_ =	shalt  }
0x76: {  	_ =	shalt  }
0x77: {  	_ =	shalt  }
0x78: {  	_ =	shalt  }
0x79: {  	_ =	shalt  }
0x7a: {  	_ =	shalt  }
0x7b: {  	_ =	shalt  }
0x7c: {  	_ =	shalt  }
0x7d: {  	_ =	shalt  }
0x7e: {  	_ =	shalt  }
0x7f: {  	_ =	shalt  }
0x80: {  	_ =	shalt  }
0x81: {  	_ =	shalt  }
0x82: {  	_ =	shalt  }
0x83: {  	_ =	shalt  }
0x84: {  	_ =	shalt  }
0x85: {  	_ =	shalt  }
0x86: {  	_ =	shalt  }
0x87: {  	_ =	shalt  }
.Lfunc_end0:
.L_simem_size_0:
called_computation_lowered:
.L_overlay_start_0:
0x88: {  	s2 =	sld [smem:$0x3FD9]  }
0x89: {  	s3 =	sld [smem:$0x3FFE];
	_ =	sdelay $0x1  }
0x8a: {  	s1 =	srdreg.scid  }
0x8b: {  	s0 =	sand.u32 $0x1, s1  }
0x8c: {  	s14 =	sshll.u32 s0, $0xA;
	s2 =	sadd.s32 s3, s2  }
0x8d: {  	s2 =	sadd.s32 s2, s14  }
0x8e: {  	[smem:$0x3FC5] =	sst s2  }
0x8f: {  	_ = 	snop  }
0x90: {  	s2 =	sld [smem:$0x3FD0];
	_ =	sdelay $0x2  }
0x91: {  	s15 =	simm.s32 $0xA;
	s4 =	simm.s32 $0x10  }
0x92: {  	[smem:s4], [sflag:s15] =	dma.local [hbm:s2], $0x1  }
0x93: {  	_ =	swait.eq [sflag:s15], $0x1  }
0x94: {  	[sflag:s15] =	ssyncset.done $0x0  }
0x95: {  	[sflag:s15] =	ssyncadd.s32 $0xFFFFFFFF  }
0x96: {  	s16 =	sld [smem:$0x11];
	(tm) =	ssettm $0x1  }
0x97: {  	s17 =	sld [smem:$0x3FFB];
	_ =	sdelay $0x3  }
0x98: {  	_ =	strace s17  }
0x99: {  	s3 =	sld [smem:$0x3FFC];
	_ =	sdelay $0x3  }
0x9a: {  	_ =	strace s3  }
0x9b: {  	s3 =	sld [smem:$0x3FFD];
	_ =	sdelay $0x3  }
0x9c: {  	_ =	strace s3  }
0x9d: {  	_ =	strace $0x8FFFFFFF  }
0x9e: {  	s18 =	sld [smem:$0x3FDB];
	_ =	sdelay $0x1  }
0x9f: {  	s19 =	simm.s32 $_scs_section_size  }
0xa0: {  	s5 =	simm.s32 $_size__tile_overlayer_lowered;
	s6 =	simm.s32 $_tile_overlayer_lowered  }
0xa1: {  	s22 =	simm.s32 $0x1BFF;
	s21 =	sshll.u32 s6, $0x1;
	s3 =	sadd.s32 s19, s18  }
0xa2: {  	s7 =	simm.s32 $0x0;
	s20 =	sshll.u32 s5, $0x1;
	s5 =	sadd.s32 s21, s3  }
0xa3: {  	[timem:s7], [sflag:s22] =	dma.local [hbm:s5], s20  }
0xa4: {  	_ =	swait.ge [sflag:s22], s20  }
0xa5: {  	s4 =	ssub.s32 $0x0, s20;
	[sflag:s22] =	ssyncset.done $0x0  }
0xa6: {  	[sflag:s22] =	ssyncadd.s32 s4;
	_ =	sdelay $0x1  }
0xa7: {  	s23 =	simm.s32 $0x1B8B  }
0xa8: {  	_ =	swait.ge [sflag:s23], $0x1  }
0xa9: {  	[sflag:s23] =	ssyncset.done $0x0  }
0xaa: {  	s25 =	simm.s32 $0x1B8E;
	s24 =	sld [smem:$0x3FFE];
	[sflag:s23] =	ssyncadd.s32 $0xFFFFFFFF  }
0xab: {  	s26 =	simm.s32 $execute0_lowered;
	[smem:$0x3FD2] =	sst s25  }
0xac: {  	s5 =	sshll.u32 s26, $0x1;
	_ =	strace $0x80000046;
	[dreg:$0x1] =	wrdreg $0xFFFFFFFF  }
0xad: {  	s28 =	simm.s32 $_size_execute0_lowered;
	s3 =	sadd.s32 s3, s5;
	[dreg:$0x0] =	wrdreg $0x0  }
0xae: {  	s5 =	sshll.u32 s28, $0x1;
	[dreg:$0x2] =	wrdreg s3  }
0xaf: {  	[dreg:$0x3] =	wrdreg s5  }
0xb0: {  	[dreg:$0x4] =	wrdreg $0xC0  }
0xb1: {  	_ =	task [dreg:s7], $0x5FFFF  }
0xb2: {  	[dreg:$0x1] =	wrdreg $0xFFFFFFFF  }
0xb3: {  	[dreg:$0x0] =	wrdreg $0x60  }
0xb4: {  	[dreg:$0x2] =	wrdreg s24  }
0xb5: {  	[dreg:$0x3] =	wrdreg s16  }
0xb6: {  	[dreg:$0x4] =	wrdreg $0x9  }
0xb7: {  	_ =	task.clear_ibuf [dreg:s7], $0x5FFFF;
	_ =	strace $0x90000046  }
0xb8: {  	s29 =	simm.s32 $0x9;
	_ =	strace $0x80000048  }
0xb9: {  	_ =	swait.ge [sflag:s29], $0x1  }
0xba: {  	[sflag:s29] =	ssyncadd.s32 $0xFFFFFFFF  }
0xbb: {  	_ =	strace $0x90000048  }
0xbc: {  	_ =	sfence  }
0xbd: {  	s30 =	sld [smem:$0x0];
	_ =	sdelay $0x2  }
0xbe: {  	s31 =	sshll.u32 s1, $0xD;
	s1 =	sshrl.u32 s1, $0x2  }
0xbf: {  	s3 =	sand.u32 $0x4000, s31;
	s1 =	sadd.s32 s1, s30  }
0xc0: {  	s0 =	sor.u32 s3, s0;
	s1 =	sshll.u32 s1, $0x11  }
0xc1: {  	s0 =	sor.u32 s1, s0  }
0xc2: {  	s0 =	sadd.s32 $0x8F2B, s0  }
0xc3: {  	[sflag:s0] =	ssyncadd.remote.s32 $0x1  }
0xc4: {  	_ =	sfence.sel $0xFFFF  }
0xc5: {  	[dreg:$0x0] =	wrdreg $0xFFFFFFFF;
	(pc) =	sbr.abs _section_cstart, $3  }
0xc6: {  	[dreg:$0x1] =	wrdreg $0xFFFFFFFF  }
0xc7: {  	_ =	task.clear_ibuf [dreg:s7], $0x2FFFF;
	_ =	strace $0x9FFFFFFF  }
0xc8: {  	(tm) =	ssettm $0x7FFFFFFF  }
0xc9: {  	_ =	shalt  }
tec
execute0_lowered:
.L_overlay_start_1:
0x0: {  	(tag) =	ssettag $0x1  }
0x1: {  	s1 =	srdreg.scid  }
0x2: {  	s14 =	rddreg [dreg:$0x0];
	s0 =	stileid.u32;
	s15 =	sand.u32 $0x1, s1  }
0x3: {  	s3 =	rddreg [dreg:$0x1];
	s4 =	sshll.u32 s0, $0xA;
	s5 =	sshll.u32 s15, $0x9  }
0x4: {  	s2 =	simm.s32 $0x0;
	s1 =	rddreg [dreg:$0x2];
	s16 =	sor.u32 s5, s4  }
0x5: {  	[smem:$0x7FF] =	sst s2;
	s4 =	sshrl.u32 s16, $0x3  }
0x6: {  	_ =	strace $0x80000047;
	s4 =	sadd.s32 s3, s4;
	s3 =	simm.s32 $0x2  }
0x7: {  	[tilespmem:s2], [sflag:$0x2] =	stream.linear.gather [hbm4b:s4+s2], $0x200, $0x38;
	[tilespmem:$0x10200] =	vst v63  }
0x8: {  	_ =	swait.ge [sflag:s3], $0x200  }
0x9: {  	s6 =	simm.s32 $0x80;
	[sflag:s3] =	ssyncset.done $0x0  }
0xa: {  	s7 =	simm.s32 $0x200;
	s5 =	sadd.s32 $0xDC9000, s14;
	[sflag:s3] =	ssyncadd.s32 $0xFFFFFE00  }
0xb: {  	[tilespmem:s7], [sflag:$0x1] =	stream.indirect.gather [hbm4b:s5+s6], $0x80, s2, s6, $0xb8;
	[tilespmem:$0x10200] =	vst v63  }
0xc: {  	s8 =	simm.s32 $0x4200  }
0xd: {  	[tilespmem:s8], [sflag:$0x1] =	stream.indirect.gather [hbm4b:s5+s6], $0x80, s6, s6, $0xb8;
	[tilespmem:$0x10200] =	vst v63  }
0xe: {  	s9 =	simm.s32 $0x100;
	s10 =	simm.s32 $0x8200  }
0xf: {  	[tilespmem:s10], [sflag:$0x1] =	stream.indirect.gather [hbm4b:s5+s6], $0x80, s9, s6, $0xb8;
	[tilespmem:$0x10200] =	vst v63  }
0x10: {  	s11 =	simm.s32 $0x180;
	s12 =	simm.s32 $0xC200;
	s13 =	simm.s32 $0x1  }
0x11: {  	[tilespmem:s12], [sflag:$0x1] =	stream.indirect.gather [hbm4b:s5+s6], $0x80, s11, s6, $0xb8;
	[tilespmem:$0x10200] =	vst v63  }
0x12: {  	_ =	swait.ge [sflag:s13], $0x4000  }
0x13: {  	[sflag:s13] =	ssyncset.done $0x0  }
0x14: {  	[sflag:s13] =	ssyncadd.s32 $0xFFFFC000  }
0x15: {  	_ =	swait.ge [sflag:s13], $0x4000  }
0x16: {  	[sflag:s13] =	ssyncset.done $0x0  }
0x17: {  	s15 =	ssub.s32 $0x2, s15;
	[sflag:s13] =	ssyncadd.s32 $0xFFFFC000  }
0x18: {  	s17 =	sshrl.u32 s15, $0x1;
	_ =	swait.ge [sflag:s13], $0x4000  }
0x19: {  	s15 =	ssub.s32 s15, s17;
	[sflag:s13] =	ssyncset.done $0x0  }
0x1a: {  	s15 =	smax.u32 s15, $0x1;
	[sflag:s13] =	ssyncadd.s32 $0xFFFFC000  }
0x1b: {  	s16 =	sshll.u32 s16, $0x4;
	p0 =	sne.s32 s15, $0x1;
	_ =	swait.ge [sflag:s13], $0x4000  }
.Ltmp0:
0x1c: {  	s14 =	sadd.s32 s16, s14;
	[sflag:s13] =	ssyncset.done $0x0;
	(pc) =	sbr.rel @!p0 .LBB2_2-.Ltmp0, $4  }
0x1d: {  	s14 =	sadd.s32 $0x5000, s14;
	[sflag:s13] =	ssyncadd.s32 $0xFFFFC000  }
0x1e: {  	[hbm4b:s14+s2] =	stream.linear.scatter [tilespmem:s7], [sflag:$0x2], $0x10000, $0x38;
	[tilespmem:$0x10200] =	vst v63  }
0x1f: {  	_ =	swait.ge [sflag:s3], $0x10000  }
0x20: {  	s15 =	sadd.s32 $0xFFFFFFFF, s15;
	[sflag:s3] =	ssyncset.done $0x0  }
.LBB2_1:
0x21: {  	p0 =	sne.s32 s15, $0x1;
	s15 =	sadd.s32 $0xFFFFFFFF, s15;
	[sflag:s3] =	ssyncadd.s32 $0xFFFF0000  }
0x22: {  	[tilespmem:s2], [sflag:$0x2] =	stream.linear.gather [hbm4b:s4+s2], $0x200, $0x38;
	[tilespmem:$0x10200] =	vst v63  }
0x23: {  	_ =	swait.ge [sflag:s3], $0x200  }
0x24: {  	[sflag:s3] =	ssyncset.done $0x0  }
0x25: {  	[sflag:s3] =	ssyncadd.s32 $0xFFFFFE00  }
0x26: {  	[tilespmem:s7], [sflag:$0x1] =	stream.indirect.gather [hbm4b:s5+s6], $0x80, s2, s6, $0xb8;
	[tilespmem:$0x10200] =	vst v63  }
0x27: {  	_ = 	snop  }
0x28: {  	[tilespmem:s8], [sflag:$0x1] =	stream.indirect.gather [hbm4b:s5+s6], $0x80, s6, s6, $0xb8;
	[tilespmem:$0x10200] =	vst v63  }
0x29: {  	_ = 	snop  }
0x2a: {  	[tilespmem:s10], [sflag:$0x1] =	stream.indirect.gather [hbm4b:s5+s6], $0x80, s9, s6, $0xb8;
	[tilespmem:$0x10200] =	vst v63  }
0x2b: {  	_ = 	snop  }
0x2c: {  	[tilespmem:s12], [sflag:$0x1] =	stream.indirect.gather [hbm4b:s5+s6], $0x80, s11, s6, $0xb8;
	[tilespmem:$0x10200] =	vst v63  }
0x2d: {  	_ =	swait.ge [sflag:s13], $0x4000  }
0x2e: {  	[sflag:s13] =	ssyncset.done $0x0  }
0x2f: {  	[sflag:s13] =	ssyncadd.s32 $0xFFFFC000  }
0x30: {  	_ =	swait.ge [sflag:s13], $0x4000  }
0x31: {  	[sflag:s13] =	ssyncset.done $0x0  }
0x32: {  	[sflag:s13] =	ssyncadd.s32 $0xFFFFC000  }
0x33: {  	_ =	swait.ge [sflag:s13], $0x4000  }
0x34: {  	[sflag:s13] =	ssyncset.done $0x0  }
0x35: {  	[sflag:s13] =	ssyncadd.s32 $0xFFFFC000  }
0x36: {  	_ =	swait.ge [sflag:s13], $0x4000  }
.Ltmp1:
0x37: {  	[sflag:s13] =	ssyncset.done $0x0;
	(pc) =	sbr.rel @p0 .LBB2_1-.Ltmp1, $4  }
0x38: {  	[sflag:s13] =	ssyncadd.s32 $0xFFFFC000  }
0x39: {  	[hbm4b:s14+s2] =	stream.linear.scatter [tilespmem:s7], [sflag:$0x2], $0x10000, $0x38;
	[tilespmem:$0x10200] =	vst v63  }
0x3a: {  	_ =	swait.ge [sflag:s3], $0x10000  }
0x3b: {  	[sflag:s3] =	ssyncset.done $0x0  }
.LBB2_2:
0x3c: {  	[sflag:s3] =	ssyncadd.s32 $0xFFFF0000  }
0x3d: {  	_ =	sfence.sel $0x180000  }
0x3e: {  	[bflag:$0x0] =	sbarrier.arrive $0xFFFF  }
0x3f: {  	p0 =	sne.s32 s0, $0x0;
	_ =	strace $0x90000047  }
0x40: {  	s0 =	sadd.s32 @!p0 $0x100000, s1;
	[bflag:$0x2] =	sbarrier.arrive $0xFFFF  }
0x41: {  	[sflag:s0] =	ssyncadd.tile.s32 @!p0 $0x1;
	_ =	shalt  }
.Lfunc_end2:
_tile_overlayer_lowered:
.L_overlay_start_2:
0x42: {  	(tag) =	ssettag $0x2  }
0x43: {  	s0 =	rddreg [dreg:$0x0];
	s2 =	stileid.u32  }
0x44: {  	s1 =	rddreg [dreg:$0x1];
	p0 =	sne.s32 s2, $0x0  }
0x45: {  	s3 =	rddreg [dreg:$0x2];
	[bflag:$0x3] =	sbarrier.arrive $0xFFFF;
	s2 =	simm.s32 @!p0 $0x1C02  }
0x46: {  	[timem:s3], [sflag:s2] =	dma.local @!p0 [hbm:s0], s1  }
0x47: {  	s0 =	simm.s32 @!p0 $0x2  }
0x48: {  	_ =	swait.ge @!p0 [sflag:s0], s1  }
0x49: {  	s1 =	ssub.s32 @!p0 $0x0, s1;
	[sflag:s0] =	ssyncset.done @!p0 $0x0  }
0x4a: {  	[sflag:s0] =	ssyncadd.s32 @!p0 s1  }
0x4b: {  	[bflag:$0x3] =	sbarrier.arrive $0xFFFF  }
0x4c: {  	_ =	shalt  }

</sc_bundles>
